<compile_context>
chip_gen: v7x
topology: tpu7x:2x2x1
jax: 0.10.2.dev20260603
libtpu: 0.0.44.dev20260713+nightly
codegen_flags: <defaults>
</compile_context>

<pallas_src>
import functools

import jax
import jax.numpy as jnp
from jax import lax
from jax.experimental import pallas as pl
from jax.experimental.pallas import tpu as pltpu
from jax.experimental.pallas import tpu_sc as plsc

_N = 10000
_E = 320000
_D = 128
_R = 3

_NC = 2
_NS = 16
_NW = _NC * _NS
_EPW = _E // _NW
_CHUNK = 104
_NCHUNK = 98
_EPWP = _NCHUNK * _CHUNK
_PAD = _EPWP - _EPW
_NP = 10112
_RPT = _NP // _NS
_NB = 2


def _segment_sum_sc(h, src3, dst3, zeros):
    mesh = plsc.VectorSubcoreMesh(
        core_axis_name="c", subcore_axis_name="s",
        num_cores=_NC, num_subcores=_NS)

    @functools.partial(
        pl.kernel,
        out_type=jax.ShapeDtypeStruct((_NC, _NP, _D), jnp.float32),
        mesh=mesh,
        scratch_types=[
            pltpu.VMEM((_EPWP,), jnp.int32),
            pltpu.VMEM((_NCHUNK, _CHUNK), jnp.int32),
            pltpu.VMEM((_NB, _CHUNK, _D), jnp.float32),
            pltpu.VMEM_SHARED((_NP, _D), jnp.float32),
            [pltpu.SemaphoreType.DMA] * _NB,
            [pltpu.SemaphoreType.DMA] * _NB,
        ],
    )
    def seg_kernel(h_hbm, src_hbm, dst_hbm, z_hbm, out_hbm,
                   src_v, dst_v, rows, acc_sh, gsems, ssems):
        c = lax.axis_index("c")
        s = lax.axis_index("s")
        w = s * _NC + c
        pltpu.sync_copy(z_hbm.at[pl.ds(s * _RPT, _RPT)],
                        acc_sh.at[pl.ds(s * _RPT, _RPT)])
        pltpu.sync_copy(src_hbm.at[pl.ds(w * _EPWP, _EPWP)], src_v)
        pltpu.sync_copy(dst_hbm.at[w], dst_v)
        plsc.subcore_barrier()

        pltpu.async_copy(h_hbm.at[src_v.at[pl.ds(0, _CHUNK)]],
                         rows.at[0], gsems[0])

        def outer(jo, carry):
            for b in range(_NB):
                j = jo * _NB + b
                pltpu.make_async_copy(
                    h_hbm.at[src_v.at[pl.ds(j * _CHUNK, _CHUNK)]],
                    rows.at[b], gsems[b]).wait()
                pltpu.async_copy(rows.at[b], acc_sh.at[dst_v.at[j]],
                                 ssems[b], add=True)

                @pl.when(j > 0)
                def _():
                    pltpu.make_async_copy(
                        rows.at[1 - b], acc_sh.at[dst_v.at[j]],
                        ssems[1 - b]).wait()

                @pl.when(j < _NCHUNK - 1)
                def _():
                    jn = j + 1
                    pltpu.async_copy(
                        h_hbm.at[src_v.at[pl.ds(jn * _CHUNK, _CHUNK)]],
                        rows.at[1 - b], gsems[1 - b])
            return carry

        lax.fori_loop(0, _NCHUNK // _NB, outer, 0)
        pltpu.make_async_copy(
            rows.at[(_NCHUNK - 1) % 2], acc_sh.at[dst_v.at[0]],
            ssems[(_NCHUNK - 1) % 2]).wait()
        plsc.subcore_barrier()
        pltpu.sync_copy(acc_sh.at[pl.ds(s * _RPT, _RPT)],
                        out_hbm.at[c, pl.ds(s * _RPT, _RPT)])

    return seg_kernel(h, src3, dst3, zeros)


def _mlp_body(x_ref, w1_ref, b1_ref, w2_ref, b2_ref, o_ref):
    h = jnp.dot(x_ref[...], w1_ref[...], preferred_element_type=jnp.float32)
    h = jnp.maximum(h + b1_ref[...], 0.0)
    h = jnp.dot(h, w2_ref[...], preferred_element_type=jnp.float32)
    o_ref[:_N] = jnp.maximum(h + b2_ref[...], 0.0)
    o_ref[_N:] = jnp.zeros((_NP - _N, _D), jnp.float32)


def _mlp(x, w1t, b1, w2t, b2):
    return pl.pallas_call(
        _mlp_body,
        out_shape=jax.ShapeDtypeStruct((_NP, _D), jnp.float32),
    )(x, w1t, b1.reshape(1, _D), w2t, b2.reshape(1, _D))


def _conv_body(h_ref, a_ref, wrt_ref, br_ref, wot_ref, o_ref):
    agg = a_ref[0, :_N] + a_ref[1, :_N]
    conv = jnp.dot(agg, wrt_ref[...], preferred_element_type=jnp.float32)
    conv = conv + br_ref[...]
    conv = conv + jnp.dot(h_ref[:_N], wot_ref[...],
                          preferred_element_type=jnp.float32)
    o_ref[:_N] = h_ref[:_N] + jnp.maximum(conv, 0.0)
    o_ref[_N:] = jnp.zeros((_NP - _N, _D), jnp.float32)


def _conv(h, aggp, wrt, br, wot):
    return pl.pallas_call(
        _conv_body,
        out_shape=jax.ShapeDtypeStruct((_NP, _D), jnp.float32),
    )(h, aggp, wrt, br.reshape(1, _D), wot)


def _conv_out_body(h_ref, a_ref, wrt_ref, br_ref, wot_ref,
                   wout_ref, bout_ref, o_ref):
    agg = a_ref[0, :_N] + a_ref[1, :_N]
    conv = jnp.dot(agg, wrt_ref[...], preferred_element_type=jnp.float32)
    conv = conv + br_ref[...]
    conv = conv + jnp.dot(h_ref[:_N], wot_ref[...],
                          preferred_element_type=jnp.float32)
    hn = h_ref[:_N] + jnp.maximum(conv, 0.0)
    o_ref[...] = jnp.dot(hn, wout_ref[...],
                         preferred_element_type=jnp.float32) + bout_ref[...]


def _conv_out(h, aggp, wrt, br, wot, woutt, bout):
    return pl.pallas_call(
        _conv_out_body,
        out_shape=jax.ShapeDtypeStruct((_N, woutt.shape[1]), jnp.float32),
    )(h, aggp, wrt, br.reshape(1, _D), wot,
      woutt, bout.reshape(1, woutt.shape[1]))


def kernel(x, edge_index, batch, W1, b1, W2, b2, Wr, br, Wo, Wout, bout):
    del batch
    pad_src = _N + (jnp.arange(_PAD, dtype=jnp.int32) % (_NP - _N))
    src1 = jnp.concatenate(
        [edge_index[0].reshape(_NW, _EPW),
         jnp.broadcast_to(pad_src, (_NW, _PAD))], axis=1).reshape(-1)
    pad_dst = (jnp.arange(_NW * _PAD, dtype=jnp.int32) * 131) % _NP
    dst3 = jnp.concatenate(
        [edge_index[1].reshape(_NW, _EPW),
         pad_dst.reshape(_NW, _PAD)], axis=1).reshape(_NW, _NCHUNK, _CHUNK)
    zeros = jnp.zeros((_NP, _D), jnp.float32)

    h = _mlp(x, W1.T, b1, W2.T, b2)
    for i in range(_R):
        aggp = _segment_sum_sc(h, src1, dst3, zeros)
        if i < _R - 1:
            h = _conv(h, aggp, Wr[i].T, br[i], Wo[i].T)
        else:
            h = _conv_out(h, aggp, Wr[i].T, br[i], Wo[i].T, Wout.T, bout)
    return h

# --- scband reference (transcript-rebuilt; emitter-appended) ---
"""Pipeline reference for scband-gnnencoder-net-15358803050572 (READ-ONLY COPY).

The authoritative reference and input builder live on the scoring server;
editing this copy changes nothing except your own understanding.
"""

import jax, jax.numpy as jnp
import numpy as np

N = 10000
E = 320000
D = 128
LAT = 64
R = 3


def setup_inputs(seed: int = 0) -> dict:
    key = jax.random.key(seed)
    ks = jax.random.split(key, 12)
    x = jax.random.normal(ks[0], (N, D), dtype=jnp.float32)
    edge_index = jax.random.randint(ks[1], (2, E), 0, N, dtype=jnp.int32)
    batch = jnp.sort(jax.random.randint(ks[2], (N,), 0, 64, dtype=jnp.int32))
    s = 0.05
    W1 = jax.random.normal(ks[3], (D, D), dtype=jnp.float32) * s
    b1 = jnp.zeros((D,), dtype=jnp.float32)
    W2 = jax.random.normal(ks[4], (D, D), dtype=jnp.float32) * s
    b2 = jnp.zeros((D,), dtype=jnp.float32)
    Wr = jax.random.normal(ks[5], (R, D, D), dtype=jnp.float32) * s
    br = jnp.zeros((R, D), dtype=jnp.float32)
    Wo = jax.random.normal(ks[6], (R, D, D), dtype=jnp.float32) * s
    Wout = jax.random.normal(ks[7], (2 * LAT, D), dtype=jnp.float32) * s
    bout = jnp.zeros((2 * LAT,), dtype=jnp.float32)
    return {"x": x, "edge_index": edge_index, "batch": batch,
            "W1": W1, "b1": b1, "W2": W2, "b2": b2,
            "Wr": Wr, "br": br, "Wo": Wo, "Wout": Wout, "bout": bout}


def reference(x, edge_index, batch, W1, b1, W2, b2, Wr, br, Wo, Wout, bout):
    # input_lin: Linear -> ReLU -> Linear -> ReLU, then outer F.relu (idempotent)
    h = jax.nn.relu(x @ W1.T + b1)
    h = jax.nn.relu(h @ W2.T + b2)
    h = jax.nn.relu(h)
    src = edge_index[0]
    dst = edge_index[1]
    for i in range(R):
        # GraphConv (PyG): out = lin_rel(sum_{j in N(i)} x_j) + lin_root(x_i)
        agg = jax.ops.segment_sum(h[src], dst, num_segments=N)
        conv = agg @ Wr[i].T + br[i] + h @ Wo[i].T
        h = h + jax.nn.relu(conv)
    return h @ Wout.T + bout

if __name__ == "__main__":
    import jax
    _d = setup_inputs()
    print(jax.jit(kernel)(*tuple(_d.values())))

</pallas_src>

<mosaic_0001>
#map = affine_map<(d0, d1) -> (0, 0)>
#map1 = affine_map<(d0, d1) -> (0)>
#map2 = affine_map<(d0, d1) -> (0, 0, 0)>
module attributes {stable_mosaic.version = 14 : i64} {
  func.func @seg_kernel(%arg0: i32, %arg1: i32, %arg2: memref<10112x128xf32, #tpu.memory_space<hbm>>, %arg3: memref<326144xi32, #tpu.memory_space<hbm>>, %arg4: memref<32x98x104xi32, #tpu.memory_space<hbm>>, %arg5: memref<10112x128xf32, #tpu.memory_space<hbm>>, %arg6: memref<2x10112x128xf32, #tpu.memory_space<hbm>>, %arg7: memref<10192xi32, #tpu.memory_space<vmem>>, %arg8: memref<98x104xi32, #tpu.memory_space<vmem>>, %arg9: memref<2x104x128xf32, #tpu.memory_space<vmem>>, %arg10: memref<10112x128xf32, #tpu.memory_space<vmem_shared>>, %arg11: memref<!tpu.dma_semaphore, #tpu.memory_space<semaphore_mem>>, %arg12: memref<!tpu.dma_semaphore, #tpu.memory_space<semaphore_mem>>, %arg13: memref<!tpu.dma_semaphore, #tpu.memory_space<semaphore_mem>>, %arg14: memref<!tpu.dma_semaphore, #tpu.memory_space<semaphore_mem>>) attributes {dimension_semantics = [#tpu.dimension_semantics<core_parallel>, #tpu.dimension_semantics<subcore_parallel>], iteration_bounds = array<i64: 2, 16>, scalar_prefetch = 0 : i64, scratch_operands = 8 : i64, tpu.core_type = #tpu.core_type<sc_vector_subcore>, window_params = [{transform_indices = #map}, {transform_indices = #map1}, {transform_indices = #map2}, {transform_indices = #map}, {transform_indices = #map2}]} {
    %mul3A = arith.constant 2 : i32
    %mul3A_0 = arith.muli %arg1, %mul3A : i32
    %add3A = arith.addi %mul3A_0, %arg0 : i32
    %mul3A_1 = arith.constant 632 : i32
    %mul3A_2 = arith.muli %arg1, %mul3A_1 : i32
    %mul3A_3 = arith.constant 632 : i32
    %mul3A_4 = arith.muli %arg1, %mul3A_3 : i32
    "tpu.region"() ({
      %run_scoped3A = tpu.sem_alloc : memref<!tpu.dma_semaphore, #tpu.memory_space<semaphore_mem>>
      %dma_start3A_37 = arith.constant 0 : i32
      %dma_start3A_38 = tpu.memref_slice %arg10[%mul3A_4, %dma_start3A_37] : memref<10112x128xf32, #tpu.memory_space<vmem_shared>> -> memref<632x128xf32, #tpu.memory_space<vmem_shared>>
      %dma_start3A_39 = arith.constant 0 : i32
      %dma_start3A_40 = tpu.memref_slice %arg5[%mul3A_2, %dma_start3A_39] : memref<10112x128xf32, #tpu.memory_space<hbm>> -> memref<632x128xf32, #tpu.memory_space<hbm>>
      tpu.enqueue_dma source(%dma_start3A_40 : memref<632x128xf32, #tpu.memory_space<hbm>>) target(%dma_start3A_38 : memref<632x128xf32, #tpu.memory_space<vmem_shared>>) target_semaphore(%run_scoped3A : memref<!tpu.dma_semaphore, #tpu.memory_space<semaphore_mem>>)
      %dma_wait3A_41 = arith.constant 0 : i32
      %dma_wait3A_42 = tpu.memref_slice %arg10[%mul3A_4, %dma_wait3A_41] : memref<10112x128xf32, #tpu.memory_space<vmem_shared>> -> memref<632x128xf32, #tpu.memory_space<vmem_shared>>
      %dma_wait3A_43 = arith.constant 0 : i32
      %dma_wait3A_44 = tpu.memref_slice %arg5[%mul3A_2, %dma_wait3A_43] : memref<10112x128xf32, #tpu.memory_space<hbm>> -> memref<632x128xf32, #tpu.memory_space<hbm>>
      tpu.wait_dma2 semaphore(%run_scoped3A : memref<!tpu.dma_semaphore, #tpu.memory_space<semaphore_mem>>) src(%dma_wait3A_44 : memref<632x128xf32, #tpu.memory_space<hbm>>) dst(%dma_wait3A_42 : memref<632x128xf32, #tpu.memory_space<vmem_shared>>)
      tpu.yield
    }) : () -> ()
    %mul3A_5 = arith.constant 10192 : i32
    %mul3A_6 = arith.muli %add3A, %mul3A_5 : i32
    "tpu.region"() ({
      %run_scoped3A = tpu.sem_alloc : memref<!tpu.dma_semaphore, #tpu.memory_space<semaphore_mem>>
      %dma_start3A_37 = tpu.memref_slice %arg3[%mul3A_6] : memref<326144xi32, #tpu.memory_space<hbm>> -> memref<10192xi32, #tpu.memory_space<hbm>>
      %dma_start3A_38 = tpu.memref_slice %arg3[%mul3A_6] : memref<326144xi32, #tpu.memory_space<hbm>> -> memref<10192xi32, #tpu.memory_space<hbm>>
      tpu.enqueue_dma source(%dma_start3A_38 : memref<10192xi32, #tpu.memory_space<hbm>>) target(%arg7 : memref<10192xi32, #tpu.memory_space<vmem>>) target_semaphore(%run_scoped3A : memref<!tpu.dma_semaphore, #tpu.memory_space<semaphore_mem>>)
      %dma_wait3A_39 = tpu.memref_slice %arg3[%mul3A_6] : memref<326144xi32, #tpu.memory_space<hbm>> -> memref<10192xi32, #tpu.memory_space<hbm>>
      %dma_wait3A_40 = tpu.memref_slice %arg3[%mul3A_6] : memref<326144xi32, #tpu.memory_space<hbm>> -> memref<10192xi32, #tpu.memory_space<hbm>>
      tpu.wait_dma2 semaphore(%run_scoped3A : memref<!tpu.dma_semaphore, #tpu.memory_space<semaphore_mem>>) src(%dma_wait3A_40 : memref<10192xi32, #tpu.memory_space<hbm>>) dst(%arg7 : memref<10192xi32, #tpu.memory_space<vmem>>)
      tpu.yield
    }) : () -> ()
    "tpu.region"() ({
      %run_scoped3A = tpu.sem_alloc : memref<!tpu.dma_semaphore, #tpu.memory_space<semaphore_mem>>
      %dma_start3A_37 = arith.constant 0 : i32
      %dma_start3A_38 = arith.constant 0 : i32
      %dma_start3A_39 = tpu.memref_slice %arg4[%add3A, %dma_start3A_37, %dma_start3A_38] : memref<32x98x104xi32, #tpu.memory_space<hbm>> -> memref<1x98x104xi32, #tpu.memory_space<hbm>>
      %dma_start3A_40 = tpu.memref_squeeze %dma_start3A_39 : memref<1x98x104xi32, #tpu.memory_space<hbm>> -> memref<98x104xi32, #tpu.memory_space<hbm>>
      %dma_start3A_41 = arith.constant 0 : i32
      %dma_start3A_42 = arith.constant 0 : i32
      %dma_start3A_43 = tpu.memref_slice %arg4[%add3A, %dma_start3A_41, %dma_start3A_42] : memref<32x98x104xi32, #tpu.memory_space<hbm>> -> memref<1x98x104xi32, #tpu.memory_space<hbm>>
      %dma_start3A_44 = tpu.memref_squeeze %dma_start3A_43 : memref<1x98x104xi32, #tpu.memory_space<hbm>> -> memref<98x104xi32, #tpu.memory_space<hbm>>
      tpu.enqueue_dma source(%dma_start3A_44 : memref<98x104xi32, #tpu.memory_space<hbm>>) target(%arg8 : memref<98x104xi32, #tpu.memory_space<vmem>>) target_semaphore(%run_scoped3A : memref<!tpu.dma_semaphore, #tpu.memory_space<semaphore_mem>>)
      %dma_wait3A_45 = arith.constant 0 : i32
      %dma_wait3A_46 = arith.constant 0 : i32
      %dma_wait3A_47 = tpu.memref_slice %arg4[%add3A, %dma_wait3A_45, %dma_wait3A_46] : memref<32x98x104xi32, #tpu.memory_space<hbm>> -> memref<1x98x104xi32, #tpu.memory_space<hbm>>
      %dma_wait3A_48 = tpu.memref_squeeze %dma_wait3A_47 : memref<1x98x104xi32, #tpu.memory_space<hbm>> -> memref<98x104xi32, #tpu.memory_space<hbm>>
      %dma_wait3A_49 = arith.constant 0 : i32
      %dma_wait3A_50 = arith.constant 0 : i32
      %dma_wait3A_51 = tpu.memref_slice %arg4[%add3A, %dma_wait3A_49, %dma_wait3A_50] : memref<32x98x104xi32, #tpu.memory_space<hbm>> -> memref<1x98x104xi32, #tpu.memory_space<hbm>>
      %dma_wait3A_52 = tpu.memref_squeeze %dma_wait3A_51 : memref<1x98x104xi32, #tpu.memory_space<hbm>> -> memref<98x104xi32, #tpu.memory_space<hbm>>
      tpu.wait_dma2 semaphore(%run_scoped3A : memref<!tpu.dma_semaphore, #tpu.memory_space<semaphore_mem>>) src(%dma_wait3A_52 : memref<98x104xi32, #tpu.memory_space<hbm>>) dst(%arg8 : memref<98x104xi32, #tpu.memory_space<vmem>>)
      tpu.yield
    }) : () -> ()
    %barrier3A = arith.constant 0 : index
    tpu.barrier barrier_id(%barrier3A)
    %dma_start3A = arith.constant 0 : i32
    %dma_start3A_7 = arith.constant 0 : i32
    %dma_start3A_8 = arith.constant 0 : i32
    %dma_start3A_9 = tpu.memref_slice %arg9[%dma_start3A, %dma_start3A_7, %dma_start3A_8] : memref<2x104x128xf32, #tpu.memory_space<vmem>> -> memref<1x104x128xf32, #tpu.memory_space<vmem>>
    %dma_start3A_10 = tpu.memref_squeeze %dma_start3A_9 : memref<1x104x128xf32, #tpu.memory_space<vmem>> -> memref<104x128xf32, #tpu.memory_space<vmem>>
    %dma_start3A_11 = arith.constant 0 : i32
    %dma_start3A_12 = tpu.memref_slice %arg7[%dma_start3A_11] : memref<10192xi32, #tpu.memory_space<vmem>> -> memref<104xi32, #tpu.memory_space<vmem>>
    %dma_start3A_13 = arith.constant 0 : i32
    %dma_start3A_14 = arith.constant 0 : i32
    %dma_start3A_15 = tpu.memref_slice %arg2[%dma_start3A_13, %dma_start3A_14] : memref<10112x128xf32, #tpu.memory_space<hbm>> -> memref<10112x128xf32, #tpu.memory_space<hbm>>
    tpu.enqueue_indirect_dma source(%dma_start3A_15 : memref<10112x128xf32, #tpu.memory_space<hbm>>) target(%dma_start3A_10 : memref<104x128xf32, #tpu.memory_space<vmem>>) offsets(%dma_start3A_12 : memref<104xi32, #tpu.memory_space<vmem>>) semaphore(%arg11 : memref<!tpu.dma_semaphore, #tpu.memory_space<semaphore_mem>>)
    %scan3A = arith.constant 0 : i32
    %scan3A_16 = arith.constant 0 : i32
    %scan3A_17 = arith.constant 49 : i32
    %scan3A_18 = arith.addi %scan3A_16, %scan3A_17 : i32
    %scan3A_19 = arith.constant 1 : i32
    scf.for %scan3A_37 = %scan3A_16 to %scan3A_18 step %scan3A_19  : i32 {
      %mul3A_38 = arith.constant 2 : i32
      %mul3A_39 = arith.muli %scan3A_37, %mul3A_38 : i32
      %add3A_40 = arith.constant 0 : i32
      %add3A_41 = arith.addi %mul3A_39, %add3A_40 : i32
      %mul3A_42 = arith.constant 104 : i32
      %mul3A_43 = arith.muli %add3A_41, %mul3A_42 : i32
      %dma_wait3A_44 = arith.constant 0 : i32
      %dma_wait3A_45 = arith.constant 0 : i32
      %dma_wait3A_46 = arith.constant 0 : i32
      %dma_wait3A_47 = tpu.memref_slice %arg9[%dma_wait3A_44, %dma_wait3A_45, %dma_wait3A_46] : memref<2x104x128xf32, #tpu.memory_space<vmem>> -> memref<1x104x128xf32, #tpu.memory_space<vmem>>
      %dma_wait3A_48 = tpu.memref_squeeze %dma_wait3A_47 : memref<1x104x128xf32, #tpu.memory_space<vmem>> -> memref<104x128xf32, #tpu.memory_space<vmem>>
      %dma_wait3A_49 = tpu.memref_slice %arg7[%mul3A_43] : memref<10192xi32, #tpu.memory_space<vmem>> -> memref<104xi32, #tpu.memory_space<vmem>>
      %dma_wait3A_50 = arith.constant 0 : i32
      %dma_wait3A_51 = arith.constant 0 : i32
      %dma_wait3A_52 = tpu.memref_slice %arg2[%dma_wait3A_50, %dma_wait3A_51] : memref<10112x128xf32, #tpu.memory_space<hbm>> -> memref<10112x128xf32, #tpu.memory_space<hbm>>
      tpu.wait_indirect_dma semaphore(%arg11 : memref<!tpu.dma_semaphore, #tpu.memory_space<semaphore_mem>>) src(%dma_wait3A_52 : memref<10112x128xf32, #tpu.memory_space<hbm>>) dst(%dma_wait3A_48 : memref<104x128xf32, #tpu.memory_space<vmem>>)
      %dma_start3A_53 = arith.constant 0 : i32
      %dma_start3A_54 = arith.constant 0 : i32
      %dma_start3A_55 = arith.constant 0 : i32
      %dma_start3A_56 = tpu.memref_slice %arg9[%dma_start3A_53, %dma_start3A_54, %dma_start3A_55] : memref<2x104x128xf32, #tpu.memory_space<vmem>> -> memref<1x104x128xf32, #tpu.memory_space<vmem>>
      %dma_start3A_57 = tpu.memref_squeeze %dma_start3A_56 : memref<1x104x128xf32, #tpu.memory_space<vmem>> -> memref<104x128xf32, #tpu.memory_space<vmem>>
      %dma_start3A_58 = arith.constant 0 : i32
      %dma_start3A_59 = tpu.memref_slice %arg8[%add3A_41, %dma_start3A_58] : memref<98x104xi32, #tpu.memory_space<vmem>> -> memref<1x104xi32, #tpu.memory_space<vmem>>
      %dma_start3A_60 = tpu.memref_squeeze %dma_start3A_59 : memref<1x104xi32, #tpu.memory_space<vmem>> -> memref<104xi32, #tpu.memory_space<vmem>>
      %dma_start3A_61 = arith.constant 0 : i32
      %dma_start3A_62 = arith.constant 0 : i32
      %dma_start3A_63 = tpu.memref_slice %arg10[%dma_start3A_61, %dma_start3A_62] : memref<10112x128xf32, #tpu.memory_space<vmem_shared>> -> memref<10112x128xf32, #tpu.memory_space<vmem_shared>>
      tpu.enqueue_indirect_dma source(%dma_start3A_57 : memref<104x128xf32, #tpu.memory_space<vmem>>) target(%dma_start3A_63 : memref<10112x128xf32, #tpu.memory_space<vmem_shared>>) offsets(%dma_start3A_60 : memref<104xi32, #tpu.memory_space<vmem>>) semaphore(%arg13 : memref<!tpu.dma_semaphore, #tpu.memory_space<semaphore_mem>>) {add = true}
      %gt3A = arith.constant 0 : i32
      %gt3A_64 = arith.cmpi sgt, %add3A_41, %gt3A : i32
      %convert_element_type3A = arith.extui %gt3A_64 : i1 to i32
      %cond3A = arith.constant 0 : i32
      %cond3A_65 = arith.cmpi ne, %convert_element_type3A, %cond3A : i32
      scf.if %cond3A_65 {
        %dma_wait3A_106 = arith.constant 1 : i32
        %dma_wait3A_107 = arith.constant 0 : i32
        %dma_wait3A_108 = arith.constant 0 : i32
        %dma_wait3A_109 = tpu.memref_slice %arg9[%dma_wait3A_106, %dma_wait3A_107, %dma_wait3A_108] : memref<2x104x128xf32, #tpu.memory_space<vmem>> -> memref<1x104x128xf32, #tpu.memory_space<vmem>>
        %dma_wait3A_110 = tpu.memref_squeeze %dma_wait3A_109 : memref<1x104x128xf32, #tpu.memory_space<vmem>> -> memref<104x128xf32, #tpu.memory_space<vmem>>
        %dma_wait3A_111 = arith.constant 0 : i32
        %dma_wait3A_112 = tpu.memref_slice %arg8[%add3A_41, %dma_wait3A_111] : memref<98x104xi32, #tpu.memory_space<vmem>> -> memref<1x104xi32, #tpu.memory_space<vmem>>
        %dma_wait3A_113 = tpu.memref_squeeze %dma_wait3A_112 : memref<1x104xi32, #tpu.memory_space<vmem>> -> memref<104xi32, #tpu.memory_space<vmem>>
        %dma_wait3A_114 = arith.constant 0 : i32
        %dma_wait3A_115 = arith.constant 0 : i32
        %dma_wait3A_116 = tpu.memref_slice %arg10[%dma_wait3A_114, %dma_wait3A_115] : memref<10112x128xf32, #tpu.memory_space<vmem_shared>> -> memref<10112x128xf32, #tpu.memory_space<vmem_shared>>
        tpu.wait_indirect_dma semaphore(%arg14 : memref<!tpu.dma_semaphore, #tpu.memory_space<semaphore_mem>>) src(%dma_wait3A_110 : memref<104x128xf32, #tpu.memory_space<vmem>>) dst(%dma_wait3A_116 : memref<10112x128xf32, #tpu.memory_space<vmem_shared>>)
      } else {
      }
      %lt3A = arith.constant 97 : i32
      %lt3A_66 = arith.cmpi slt, %add3A_41, %lt3A : i32
      %convert_element_type3A_67 = arith.extui %lt3A_66 : i1 to i32
      %cond3A_68 = arith.constant 0 : i32
      %cond3A_69 = arith.cmpi ne, %convert_element_type3A_67, %cond3A_68 : i32
      scf.if %cond3A_69 {
        %add3A_106 = arith.constant 1 : i32
        %add3A_107 = arith.addi %add3A_41, %add3A_106 : i32
        %mul3A_108 = arith.constant 104 : i32
        %mul3A_109 = arith.muli %add3A_107, %mul3A_108 : i32
        %dma_start3A_110 = arith.constant 1 : i32
        %dma_start3A_111 = arith.constant 0 : i32
        %dma_start3A_112 = arith.constant 0 : i32
        %dma_start3A_113 = tpu.memref_slice %arg9[%dma_start3A_110, %dma_start3A_111, %dma_start3A_112] : memref<2x104x128xf32, #tpu.memory_space<vmem>> -> memref<1x104x128xf32, #tpu.memory_space<vmem>>
        %dma_start3A_114 = tpu.memref_squeeze %dma_start3A_113 : memref<1x104x128xf32, #tpu.memory_space<vmem>> -> memref<104x128xf32, #tpu.memory_space<vmem>>
        %dma_start3A_115 = tpu.memref_slice %arg7[%mul3A_109] : memref<10192xi32, #tpu.memory_space<vmem>> -> memref<104xi32, #tpu.memory_space<vmem>>
        %dma_start3A_116 = arith.constant 0 : i32
        %dma_start3A_117 = arith.constant 0 : i32
        %dma_start3A_118 = tpu.memref_slice %arg2[%dma_start3A_116, %dma_start3A_117] : memref<10112x128xf32, #tpu.memory_space<hbm>> -> memref<10112x128xf32, #tpu.memory_space<hbm>>
        tpu.enqueue_indirect_dma source(%dma_start3A_118 : memref<10112x128xf32, #tpu.memory_space<hbm>>) target(%dma_start3A_114 : memref<104x128xf32, #tpu.memory_space<vmem>>) offsets(%dma_start3A_115 : memref<104xi32, #tpu.memory_space<vmem>>) semaphore(%arg12 : memref<!tpu.dma_semaphore, #tpu.memory_space<semaphore_mem>>)
      } else {
      }
      %mul3A_70 = arith.constant 2 : i32
      %mul3A_71 = arith.muli %scan3A_37, %mul3A_70 : i32
      %add3A_72 = arith.constant 1 : i32
      %add3A_73 = arith.addi %mul3A_71, %add3A_72 : i32
      %mul3A_74 = arith.constant 104 : i32
      %mul3A_75 = arith.muli %add3A_73, %mul3A_74 : i32
      %dma_wait3A_76 = arith.constant 1 : i32
      %dma_wait3A_77 = arith.constant 0 : i32
      %dma_wait3A_78 = arith.constant 0 : i32
      %dma_wait3A_79 = tpu.memref_slice %arg9[%dma_wait3A_76, %dma_wait3A_77, %dma_wait3A_78] : memref<2x104x128xf32, #tpu.memory_space<vmem>> -> memref<1x104x128xf32, #tpu.memory_space<vmem>>
      %dma_wait3A_80 = tpu.memref_squeeze %dma_wait3A_79 : memref<1x104x128xf32, #tpu.memory_space<vmem>> -> memref<104x128xf32, #tpu.memory_space<vmem>>
      %dma_wait3A_81 = tpu.memref_slice %arg7[%mul3A_75] : memref<10192xi32, #tpu.memory_space<vmem>> -> memref<104xi32, #tpu.memory_space<vmem>>
      %dma_wait3A_82 = arith.constant 0 : i32
      %dma_wait3A_83 = arith.constant 0 : i32
      %dma_wait3A_84 = tpu.memref_slice %arg2[%dma_wait3A_82, %dma_wait3A_83] : memref<10112x128xf32, #tpu.memory_space<hbm>> -> memref<10112x128xf32, #tpu.memory_space<hbm>>
      tpu.wait_indirect_dma semaphore(%arg12 : memref<!tpu.dma_semaphore, #tpu.memory_space<semaphore_mem>>) src(%dma_wait3A_84 : memref<10112x128xf32, #tpu.memory_space<hbm>>) dst(%dma_wait3A_80 : memref<104x128xf32, #tpu.memory_space<vmem>>)
      %dma_start3A_85 = arith.constant 1 : i32
      %dma_start3A_86 = arith.constant 0 : i32
      %dma_start3A_87 = arith.constant 0 : i32
      %dma_start3A_88 = tpu.memref_slice %arg9[%dma_start3A_85, %dma_start3A_86, %dma_start3A_87] : memref<2x104x128xf32, #tpu.memory_space<vmem>> -> memref<1x104x128xf32, #tpu.memory_space<vmem>>
      %dma_start3A_89 = tpu.memref_squeeze %dma_start3A_88 : memref<1x104x128xf32, #tpu.memory_space<vmem>> -> memref<104x128xf32, #tpu.memory_space<vmem>>
      %dma_start3A_90 = arith.constant 0 : i32
      %dma_start3A_91 = tpu.memref_slice %arg8[%add3A_73, %dma_start3A_90] : memref<98x104xi32, #tpu.memory_space<vmem>> -> memref<1x104xi32, #tpu.memory_space<vmem>>
      %dma_start3A_92 = tpu.memref_squeeze %dma_start3A_91 : memref<1x104xi32, #tpu.memory_space<vmem>> -> memref<104xi32, #tpu.memory_space<vmem>>
      %dma_start3A_93 = arith.constant 0 : i32
      %dma_start3A_94 = arith.constant 0 : i32
      %dma_start3A_95 = tpu.memref_slice %arg10[%dma_start3A_93, %dma_start3A_94] : memref<10112x128xf32, #tpu.memory_space<vmem_shared>> -> memref<10112x128xf32, #tpu.memory_space<vmem_shared>>
      tpu.enqueue_indirect_dma source(%dma_start3A_89 : memref<104x128xf32, #tpu.memory_space<vmem>>) target(%dma_start3A_95 : memref<10112x128xf32, #tpu.memory_space<vmem_shared>>) offsets(%dma_start3A_92 : memref<104xi32, #tpu.memory_space<vmem>>) semaphore(%arg14 : memref<!tpu.dma_semaphore, #tpu.memory_space<semaphore_mem>>) {add = true}
      %gt3A_96 = arith.constant 0 : i32
      %gt3A_97 = arith.cmpi sgt, %add3A_73, %gt3A_96 : i32
      %convert_element_type3A_98 = arith.extui %gt3A_97 : i1 to i32
      %cond3A_99 = arith.constant 0 : i32
      %cond3A_100 = arith.cmpi ne, %convert_element_type3A_98, %cond3A_99 : i32
      scf.if %cond3A_100 {
        %dma_wait3A_106 = arith.constant 0 : i32
        %dma_wait3A_107 = arith.constant 0 : i32
        %dma_wait3A_108 = arith.constant 0 : i32
        %dma_wait3A_109 = tpu.memref_slice %arg9[%dma_wait3A_106, %dma_wait3A_107, %dma_wait3A_108] : memref<2x104x128xf32, #tpu.memory_space<vmem>> -> memref<1x104x128xf32, #tpu.memory_space<vmem>>
        %dma_wait3A_110 = tpu.memref_squeeze %dma_wait3A_109 : memref<1x104x128xf32, #tpu.memory_space<vmem>> -> memref<104x128xf32, #tpu.memory_space<vmem>>
        %dma_wait3A_111 = arith.constant 0 : i32
        %dma_wait3A_112 = tpu.memref_slice %arg8[%add3A_73, %dma_wait3A_111] : memref<98x104xi32, #tpu.memory_space<vmem>> -> memref<1x104xi32, #tpu.memory_space<vmem>>
        %dma_wait3A_113 = tpu.memref_squeeze %dma_wait3A_112 : memref<1x104xi32, #tpu.memory_space<vmem>> -> memref<104xi32, #tpu.memory_space<vmem>>
        %dma_wait3A_114 = arith.constant 0 : i32
        %dma_wait3A_115 = arith.constant 0 : i32
        %dma_wait3A_116 = tpu.memref_slice %arg10[%dma_wait3A_114, %dma_wait3A_115] : memref<10112x128xf32, #tpu.memory_space<vmem_shared>> -> memref<10112x128xf32, #tpu.memory_space<vmem_shared>>
        tpu.wait_indirect_dma semaphore(%arg13 : memref<!tpu.dma_semaphore, #tpu.memory_space<semaphore_mem>>) src(%dma_wait3A_110 : memref<104x128xf32, #tpu.memory_space<vmem>>) dst(%dma_wait3A_116 : memref<10112x128xf32, #tpu.memory_space<vmem_shared>>)
      } else {
      }
      %lt3A_101 = arith.constant 97 : i32
      %lt3A_102 = arith.cmpi slt, %add3A_73, %lt3A_101 : i32
      %convert_element_type3A_103 = arith.extui %lt3A_102 : i1 to i32
      %cond3A_104 = arith.constant 0 : i32
      %cond3A_105 = arith.cmpi ne, %convert_element_type3A_103, %cond3A_104 : i32
      scf.if %cond3A_105 {
        %add3A_106 = arith.constant 1 : i32
        %add3A_107 = arith.addi %add3A_73, %add3A_106 : i32
        %mul3A_108 = arith.constant 104 : i32
        %mul3A_109 = arith.muli %add3A_107, %mul3A_108 : i32
        %dma_start3A_110 = arith.constant 0 : i32
        %dma_start3A_111 = arith.constant 0 : i32
        %dma_start3A_112 = arith.constant 0 : i32
        %dma_start3A_113 = tpu.memref_slice %arg9[%dma_start3A_110, %dma_start3A_111, %dma_start3A_112] : memref<2x104x128xf32, #tpu.memory_space<vmem>> -> memref<1x104x128xf32, #tpu.memory_space<vmem>>
        %dma_start3A_114 = tpu.memref_squeeze %dma_start3A_113 : memref<1x104x128xf32, #tpu.memory_space<vmem>> -> memref<104x128xf32, #tpu.memory_space<vmem>>
        %dma_start3A_115 = tpu.memref_slice %arg7[%mul3A_109] : memref<10192xi32, #tpu.memory_space<vmem>> -> memref<104xi32, #tpu.memory_space<vmem>>
        %dma_start3A_116 = arith.constant 0 : i32
        %dma_start3A_117 = arith.constant 0 : i32
        %dma_start3A_118 = tpu.memref_slice %arg2[%dma_start3A_116, %dma_start3A_117] : memref<10112x128xf32, #tpu.memory_space<hbm>> -> memref<10112x128xf32, #tpu.memory_space<hbm>>
        tpu.enqueue_indirect_dma source(%dma_start3A_118 : memref<10112x128xf32, #tpu.memory_space<hbm>>) target(%dma_start3A_114 : memref<104x128xf32, #tpu.memory_space<vmem>>) offsets(%dma_start3A_115 : memref<104xi32, #tpu.memory_space<vmem>>) semaphore(%arg11 : memref<!tpu.dma_semaphore, #tpu.memory_space<semaphore_mem>>)
      } else {
      }
    }
    %scan3A_20 = arith.constant 49 : i32
    %dma_wait3A = arith.constant 1 : i32
    %dma_wait3A_21 = arith.constant 0 : i32
    %dma_wait3A_22 = arith.constant 0 : i32
    %dma_wait3A_23 = arith.constant 0 : i32
    %dma_wait3A_24 = tpu.memref_slice %arg9[%dma_wait3A, %dma_wait3A_22, %dma_wait3A_23] : memref<2x104x128xf32, #tpu.memory_space<vmem>> -> memref<1x104x128xf32, #tpu.memory_space<vmem>>
    %dma_wait3A_25 = tpu.memref_squeeze %dma_wait3A_24 : memref<1x104x128xf32, #tpu.memory_space<vmem>> -> memref<104x128xf32, #tpu.memory_space<vmem>>
    %dma_wait3A_26 = arith.constant 0 : i32
    %dma_wait3A_27 = tpu.memref_slice %arg8[%dma_wait3A_21, %dma_wait3A_26] : memref<98x104xi32, #tpu.memory_space<vmem>> -> memref<1x104xi32, #tpu.memory_space<vmem>>
    %dma_wait3A_28 = tpu.memref_squeeze %dma_wait3A_27 : memref<1x104xi32, #tpu.memory_space<vmem>> -> memref<104xi32, #tpu.memory_space<vmem>>
    %dma_wait3A_29 = arith.constant 0 : i32
    %dma_wait3A_30 = arith.constant 0 : i32
    %dma_wait3A_31 = tpu.memref_slice %arg10[%dma_wait3A_29, %dma_wait3A_30] : memref<10112x128xf32, #tpu.memory_space<vmem_shared>> -> memref<10112x128xf32, #tpu.memory_space<vmem_shared>>
    tpu.wait_indirect_dma semaphore(%arg14 : memref<!tpu.dma_semaphore, #tpu.memory_space<semaphore_mem>>) src(%dma_wait3A_25 : memref<104x128xf32, #tpu.memory_space<vmem>>) dst(%dma_wait3A_31 : memref<10112x128xf32, #tpu.memory_space<vmem_shared>>)
    %barrier3A_32 = arith.constant 0 : index
    tpu.barrier barrier_id(%barrier3A_32)
    %mul3A_33 = arith.constant 632 : i32
    %mul3A_34 = arith.muli %arg1, %mul3A_33 : i32
    %mul3A_35 = arith.constant 632 : i32
    %mul3A_36 = arith.muli %arg1, %mul3A_35 : i32
    "tpu.region"() ({
      %run_scoped3A = tpu.sem_alloc : memref<!tpu.dma_semaphore, #tpu.memory_space<semaphore_mem>>
      %dma_start3A_37 = arith.constant 0 : i32
      %dma_start3A_38 = tpu.memref_slice %arg6[%arg0, %mul3A_36, %dma_start3A_37] : memref<2x10112x128xf32, #tpu.memory_space<hbm>> -> memref<1x632x128xf32, #tpu.memory_space<hbm>>
      %dma_start3A_39 = tpu.memref_squeeze %dma_start3A_38 : memref<1x632x128xf32, #tpu.memory_space<hbm>> -> memref<632x128xf32, #tpu.memory_space<hbm>>
      %dma_start3A_40 = arith.constant 0 : i32
      %dma_start3A_41 = tpu.memref_slice %arg10[%mul3A_34, %dma_start3A_40] : memref<10112x128xf32, #tpu.memory_space<vmem_shared>> -> memref<632x128xf32, #tpu.memory_space<vmem_shared>>
      tpu.enqueue_dma source(%dma_start3A_41 : memref<632x128xf32, #tpu.memory_space<vmem_shared>>) target(%dma_start3A_39 : memref<632x128xf32, #tpu.memory_space<hbm>>) target_semaphore(%run_scoped3A : memref<!tpu.dma_semaphore, #tpu.memory_space<semaphore_mem>>)
      %dma_wait3A_42 = arith.constant 0 : i32
      %dma_wait3A_43 = tpu.memref_slice %arg6[%arg0, %mul3A_36, %dma_wait3A_42] : memref<2x10112x128xf32, #tpu.memory_space<hbm>> -> memref<1x632x128xf32, #tpu.memory_space<hbm>>
      %dma_wait3A_44 = tpu.memref_squeeze %dma_wait3A_43 : memref<1x632x128xf32, #tpu.memory_space<hbm>> -> memref<632x128xf32, #tpu.memory_space<hbm>>
      %dma_wait3A_45 = arith.constant 0 : i32
      %dma_wait3A_46 = tpu.memref_slice %arg10[%mul3A_34, %dma_wait3A_45] : memref<10112x128xf32, #tpu.memory_space<vmem_shared>> -> memref<632x128xf32, #tpu.memory_space<vmem_shared>>
      tpu.wait_dma2 semaphore(%run_scoped3A : memref<!tpu.dma_semaphore, #tpu.memory_space<semaphore_mem>>) src(%dma_wait3A_46 : memref<632x128xf32, #tpu.memory_space<vmem_shared>>) dst(%dma_wait3A_44 : memref<632x128xf32, #tpu.memory_space<hbm>>)
      tpu.yield
    }) : () -> ()
    return
  }
}

#map = affine_map<(d0, d1) -> (0, 0)>
#map1 = affine_map<(d0, d1) -> (0)>
#map2 = affine_map<(d0, d1) -> (0, 0, 0)>
module attributes {stable_mosaic.version = 14 : i64} {
  func.func @seg_kernel(%arg0: i32, %arg1: i32, %arg2: memref<10112x128xf32, #tpu.memory_space<hbm>>, %arg3: memref<326144xi32, #tpu.memory_space<hbm>>, %arg4: memref<32x98x104xi32, #tpu.memory_space<hbm>>, %arg5: memref<10112x128xf32, #tpu.memory_space<hbm>>, %arg6: memref<2x10112x128xf32, #tpu.memory_space<hbm>>, %arg7: memref<10192xi32, #tpu.memory_space<vmem>>, %arg8: memref<98x104xi32, #tpu.memory_space<vmem>>, %arg9: memref<2x104x128xf32, #tpu.memory_space<vmem>>, %arg10: memref<10112x128xf32, #tpu.memory_space<vmem_shared>>, %arg11: memref<!tpu.dma_semaphore, #tpu.memory_space<semaphore_mem>>, %arg12: memref<!tpu.dma_semaphore, #tpu.memory_space<semaphore_mem>>, %arg13: memref<!tpu.dma_semaphore, #tpu.memory_space<semaphore_mem>>, %arg14: memref<!tpu.dma_semaphore, #tpu.memory_space<semaphore_mem>>) attributes {dimension_semantics = [#tpu.dimension_semantics<core_parallel>, #tpu.dimension_semantics<subcore_parallel>], iteration_bounds = array<i64: 2, 16>, scalar_prefetch = 0 : i64, scratch_operands = 8 : i64, tpu.core_type = #tpu.core_type<sc_vector_subcore>, window_params = [{transform_indices = #map}, {transform_indices = #map1}, {transform_indices = #map2}, {transform_indices = #map}, {transform_indices = #map2}]} {
    %mul3A = arith.constant 2 : i32
    %mul3A_0 = arith.muli %arg1, %mul3A : i32
    %add3A = arith.addi %mul3A_0, %arg0 : i32
    %mul3A_1 = arith.constant 632 : i32
    %mul3A_2 = arith.muli %arg1, %mul3A_1 : i32
    %mul3A_3 = arith.constant 632 : i32
    %mul3A_4 = arith.muli %arg1, %mul3A_3 : i32
    "tpu.region"() ({
      %run_scoped3A = tpu.sem_alloc : memref<!tpu.dma_semaphore, #tpu.memory_space<semaphore_mem>>
      %dma_start3A_37 = arith.constant 0 : i32
      %dma_start3A_38 = tpu.memref_slice %arg10[%mul3A_4, %dma_start3A_37] : memref<10112x128xf32, #tpu.memory_space<vmem_shared>> -> memref<632x128xf32, #tpu.memory_space<vmem_shared>>
      %dma_start3A_39 = arith.constant 0 : i32
      %dma_start3A_40 = tpu.memref_slice %arg5[%mul3A_2, %dma_start3A_39] : memref<10112x128xf32, #tpu.memory_space<hbm>> -> memref<632x128xf32, #tpu.memory_space<hbm>>
      tpu.enqueue_dma source(%dma_start3A_40 : memref<632x128xf32, #tpu.memory_space<hbm>>) target(%dma_start3A_38 : memref<632x128xf32, #tpu.memory_space<vmem_shared>>) target_semaphore(%run_scoped3A : memref<!tpu.dma_semaphore, #tpu.memory_space<semaphore_mem>>)
      %dma_wait3A_41 = arith.constant 0 : i32
      %dma_wait3A_42 = tpu.memref_slice %arg10[%mul3A_4, %dma_wait3A_41] : memref<10112x128xf32, #tpu.memory_space<vmem_shared>> -> memref<632x128xf32, #tpu.memory_space<vmem_shared>>
      %dma_wait3A_43 = arith.constant 0 : i32
      %dma_wait3A_44 = tpu.memref_slice %arg5[%mul3A_2, %dma_wait3A_43] : memref<10112x128xf32, #tpu.memory_space<hbm>> -> memref<632x128xf32, #tpu.memory_space<hbm>>
      tpu.wait_dma2 semaphore(%run_scoped3A : memref<!tpu.dma_semaphore, #tpu.memory_space<semaphore_mem>>) src(%dma_wait3A_44 : memref<632x128xf32, #tpu.memory_space<hbm>>) dst(%dma_wait3A_42 : memref<632x128xf32, #tpu.memory_space<vmem_shared>>)
      tpu.yield
    }) : () -> ()
    %mul3A_5 = arith.constant 10192 : i32
    %mul3A_6 = arith.muli %add3A, %mul3A_5 : i32
    "tpu.region"() ({
      %run_scoped3A = tpu.sem_alloc : memref<!tpu.dma_semaphore, #tpu.memory_space<semaphore_mem>>
      %dma_start3A_37 = tpu.memref_slice %arg3[%mul3A_6] : memref<326144xi32, #tpu.memory_space<hbm>> -> memref<10192xi32, #tpu.memory_space<hbm>>
      %dma_start3A_38 = tpu.memref_slice %arg3[%mul3A_6] : memref<326144xi32, #tpu.memory_space<hbm>> -> memref<10192xi32, #tpu.memory_space<hbm>>
      tpu.enqueue_dma source(%dma_start3A_38 : memref<10192xi32, #tpu.memory_space<hbm>>) target(%arg7 : memref<10192xi32, #tpu.memory_space<vmem>>) target_semaphore(%run_scoped3A : memref<!tpu.dma_semaphore, #tpu.memory_space<semaphore_mem>>)
      %dma_wait3A_39 = tpu.memref_slice %arg3[%mul3A_6] : memref<326144xi32, #tpu.memory_space<hbm>> -> memref<10192xi32, #tpu.memory_space<hbm>>
      %dma_wait3A_40 = tpu.memref_slice %arg3[%mul3A_6] : memref<326144xi32, #tpu.memory_space<hbm>> -> memref<10192xi32, #tpu.memory_space<hbm>>
      tpu.wait_dma2 semaphore(%run_scoped3A : memref<!tpu.dma_semaphore, #tpu.memory_space<semaphore_mem>>) src(%dma_wait3A_40 : memref<10192xi32, #tpu.memory_space<hbm>>) dst(%arg7 : memref<10192xi32, #tpu.memory_space<vmem>>)
      tpu.yield
    }) : () -> ()
    "tpu.region"() ({
      %run_scoped3A = tpu.sem_alloc : memref<!tpu.dma_semaphore, #tpu.memory_space<semaphore_mem>>
      %dma_start3A_37 = arith.constant 0 : i32
      %dma_start3A_38 = arith.constant 0 : i32
      %dma_start3A_39 = tpu.memref_slice %arg4[%add3A, %dma_start3A_37, %dma_start3A_38] : memref<32x98x104xi32, #tpu.memory_space<hbm>> -> memref<1x98x104xi32, #tpu.memory_space<hbm>>
      %dma_start3A_40 = tpu.memref_squeeze %dma_start3A_39 : memref<1x98x104xi32, #tpu.memory_space<hbm>> -> memref<98x104xi32, #tpu.memory_space<hbm>>
      %dma_start3A_41 = arith.constant 0 : i32
      %dma_start3A_42 = arith.constant 0 : i32
      %dma_start3A_43 = tpu.memref_slice %arg4[%add3A, %dma_start3A_41, %dma_start3A_42] : memref<32x98x104xi32, #tpu.memory_space<hbm>> -> memref<1x98x104xi32, #tpu.memory_space<hbm>>
      %dma_start3A_44 = tpu.memref_squeeze %dma_start3A_43 : memref<1x98x104xi32, #tpu.memory_space<hbm>> -> memref<98x104xi32, #tpu.memory_space<hbm>>
      tpu.enqueue_dma source(%dma_start3A_44 : memref<98x104xi32, #tpu.memory_space<hbm>>) target(%arg8 : memref<98x104xi32, #tpu.memory_space<vmem>>) target_semaphore(%run_scoped3A : memref<!tpu.dma_semaphore, #tpu.memory_space<semaphore_mem>>)
      %dma_wait3A_45 = arith.constant 0 : i32
      %dma_wait3A_46 = arith.constant 0 : i32
      %dma_wait3A_47 = tpu.memref_slice %arg4[%add3A, %dma_wait3A_45, %dma_wait3A_46] : memref<32x98x104xi32, #tpu.memory_space<hbm>> -> memref<1x98x104xi32, #tpu.memory_space<hbm>>
      %dma_wait3A_48 = tpu.memref_squeeze %dma_wait3A_47 : memref<1x98x104xi32, #tpu.memory_space<hbm>> -> memref<98x104xi32, #tpu.memory_space<hbm>>
      %dma_wait3A_49 = arith.constant 0 : i32
      %dma_wait3A_50 = arith.constant 0 : i32
      %dma_wait3A_51 = tpu.memref_slice %arg4[%add3A, %dma_wait3A_49, %dma_wait3A_50] : memref<32x98x104xi32, #tpu.memory_space<hbm>> -> memref<1x98x104xi32, #tpu.memory_space<hbm>>
      %dma_wait3A_52 = tpu.memref_squeeze %dma_wait3A_51 : memref<1x98x104xi32, #tpu.memory_space<hbm>> -> memref<98x104xi32, #tpu.memory_space<hbm>>
      tpu.wait_dma2 semaphore(%run_scoped3A : memref<!tpu.dma_semaphore, #tpu.memory_space<semaphore_mem>>) src(%dma_wait3A_52 : memref<98x104xi32, #tpu.memory_space<hbm>>) dst(%arg8 : memref<98x104xi32, #tpu.memory_space<vmem>>)
      tpu.yield
    }) : () -> ()
    %barrier3A = arith.constant 0 : index
    tpu.barrier barrier_id(%barrier3A)
    %dma_start3A = arith.constant 0 : i32
    %dma_start3A_7 = arith.constant 0 : i32
    %dma_start3A_8 = arith.constant 0 : i32
    %dma_start3A_9 = tpu.memref_slice %arg9[%dma_start3A, %dma_start3A_7, %dma_start3A_8] : memref<2x104x128xf32, #tpu.memory_space<vmem>> -> memref<1x104x128xf32, #tpu.memory_space<vmem>>
    %dma_start3A_10 = tpu.memref_squeeze %dma_start3A_9 : memref<1x104x128xf32, #tpu.memory_space<vmem>> -> memref<104x128xf32, #tpu.memory_space<vmem>>
    %dma_start3A_11 = arith.constant 0 : i32
    %dma_start3A_12 = tpu.memref_slice %arg7[%dma_start3A_11] : memref<10192xi32, #tpu.memory_space<vmem>> -> memref<104xi32, #tpu.memory_space<vmem>>
    %dma_start3A_13 = arith.constant 0 : i32
    %dma_start3A_14 = arith.constant 0 : i32
    %dma_start3A_15 = tpu.memref_slice %arg2[%dma_start3A_13, %dma_start3A_14] : memref<10112x128xf32, #tpu.memory_space<hbm>> -> memref<10112x128xf32, #tpu.memory_space<hbm>>
    tpu.enqueue_indirect_dma source(%dma_start3A_15 : memref<10112x128xf32, #tpu.memory_space<hbm>>) target(%dma_start3A_10 : memref<104x128xf32, #tpu.memory_space<vmem>>) offsets(%dma_start3A_12 : memref<104xi32, #tpu.memory_space<vmem>>) semaphore(%arg11 : memref<!tpu.dma_semaphore, #tpu.memory_space<semaphore_mem>>)
    %scan3A = arith.constant 0 : i32
    %scan3A_16 = arith.constant 0 : i32
    %scan3A_17 = arith.constant 49 : i32
    %scan3A_18 = arith.addi %scan3A_16, %scan3A_17 : i32
    %scan3A_19 = arith.constant 1 : i32
    scf.for %scan3A_37 = %scan3A_16 to %scan3A_18 step %scan3A_19  : i32 {
      %mul3A_38 = arith.constant 2 : i32
      %mul3A_39 = arith.muli %scan3A_37, %mul3A_38 : i32
      %add3A_40 = arith.constant 0 : i32
      %add3A_41 = arith.addi %mul3A_39, %add3A_40 : i32
      %mul3A_42 = arith.constant 104 : i32
      %mul3A_43 = arith.muli %add3A_41, %mul3A_42 : i32
      %dma_wait3A_44 = arith.constant 0 : i32
      %dma_wait3A_45 = arith.constant 0 : i32
      %dma_wait3A_46 = arith.constant 0 : i32
      %dma_wait3A_47 = tpu.memref_slice %arg9[%dma_wait3A_44, %dma_wait3A_45, %dma_wait3A_46] : memref<2x104x128xf32, #tpu.memory_space<vmem>> -> memref<1x104x128xf32, #tpu.memory_space<vmem>>
      %dma_wait3A_48 = tpu.memref_squeeze %dma_wait3A_47 : memref<1x104x128xf32, #tpu.memory_space<vmem>> -> memref<104x128xf32, #tpu.memory_space<vmem>>
      %dma_wait3A_49 = tpu.memref_slice %arg7[%mul3A_43] : memref<10192xi32, #tpu.memory_space<vmem>> -> memref<104xi32, #tpu.memory_space<vmem>>
      %dma_wait3A_50 = arith.constant 0 : i32
      %dma_wait3A_51 = arith.constant 0 : i32
      %dma_wait3A_52 = tpu.memref_slice %arg2[%dma_wait3A_50, %dma_wait3A_51] : memref<10112x128xf32, #tpu.memory_space<hbm>> -> memref<10112x128xf32, #tpu.memory_space<hbm>>
      tpu.wait_indirect_dma semaphore(%arg11 : memref<!tpu.dma_semaphore, #tpu.memory_space<semaphore_mem>>) src(%dma_wait3A_52 : memref<10112x128xf32, #tpu.memory_space<hbm>>) dst(%dma_wait3A_48 : memref<104x128xf32, #tpu.memory_space<vmem>>)
      %dma_start3A_53 = arith.constant 0 : i32
      %dma_start3A_54 = arith.constant 0 : i32
      %dma_start3A_55 = arith.constant 0 : i32
      %dma_start3A_56 = tpu.memref_slice %arg9[%dma_start3A_53, %dma_start3A_54, %dma_start3A_55] : memref<2x104x128xf32, #tpu.memory_space<vmem>> -> memref<1x104x128xf32, #tpu.memory_space<vmem>>
      %dma_start3A_57 = tpu.memref_squeeze %dma_start3A_56 : memref<1x104x128xf32, #tpu.memory_space<vmem>> -> memref<104x128xf32, #tpu.memory_space<vmem>>
      %dma_start3A_58 = arith.constant 0 : i32
      %dma_start3A_59 = tpu.memref_slice %arg8[%add3A_41, %dma_start3A_58] : memref<98x104xi32, #tpu.memory_space<vmem>> -> memref<1x104xi32, #tpu.memory_space<vmem>>
      %dma_start3A_60 = tpu.memref_squeeze %dma_start3A_59 : memref<1x104xi32, #tpu.memory_space<vmem>> -> memref<104xi32, #tpu.memory_space<vmem>>
      %dma_start3A_61 = arith.constant 0 : i32
      %dma_start3A_62 = arith.constant 0 : i32
      %dma_start3A_63 = tpu.memref_slice %arg10[%dma_start3A_61, %dma_start3A_62] : memref<10112x128xf32, #tpu.memory_space<vmem_shared>> -> memref<10112x128xf32, #tpu.memory_space<vmem_shared>>
      tpu.enqueue_indirect_dma source(%dma_start3A_57 : memref<104x128xf32, #tpu.memory_space<vmem>>) target(%dma_start3A_63 : memref<10112x128xf32, #tpu.memory_space<vmem_shared>>) offsets(%dma_start3A_60 : memref<104xi32, #tpu.memory_space<vmem>>) semaphore(%arg13 : memref<!tpu.dma_semaphore, #tpu.memory_space<semaphore_mem>>) {add = true}
      %gt3A = arith.constant 0 : i32
      %gt3A_64 = arith.cmpi sgt, %add3A_41, %gt3A : i32
      %convert_element_type3A = arith.extui %gt3A_64 : i1 to i32
      %cond3A = arith.constant 0 : i32
      %cond3A_65 = arith.cmpi ne, %convert_element_type3A, %cond3A : i32
      scf.if %cond3A_65 {
        %dma_wait3A_106 = arith.constant 1 : i32
        %dma_wait3A_107 = arith.constant 0 : i32
        %dma_wait3A_108 = arith.constant 0 : i32
        %dma_wait3A_109 = tpu.memref_slice %arg9[%dma_wait3A_106, %dma_wait3A_107, %dma_wait3A_108] : memref<2x104x128xf32, #tpu.memory_space<vmem>> -> memref<1x104x128xf32, #tpu.memory_space<vmem>>
        %dma_wait3A_110 = tpu.memref_squeeze %dma_wait3A_109 : memref<1x104x128xf32, #tpu.memory_space<vmem>> -> memref<104x128xf32, #tpu.memory_space<vmem>>
        %dma_wait3A_111 = arith.constant 0 : i32
        %dma_wait3A_112 = tpu.memref_slice %arg8[%add3A_41, %dma_wait3A_111] : memref<98x104xi32, #tpu.memory_space<vmem>> -> memref<1x104xi32, #tpu.memory_space<vmem>>
        %dma_wait3A_113 = tpu.memref_squeeze %dma_wait3A_112 : memref<1x104xi32, #tpu.memory_space<vmem>> -> memref<104xi32, #tpu.memory_space<vmem>>
        %dma_wait3A_114 = arith.constant 0 : i32
        %dma_wait3A_115 = arith.constant 0 : i32
        %dma_wait3A_116 = tpu.memref_slice %arg10[%dma_wait3A_114, %dma_wait3A_115] : memref<10112x128xf32, #tpu.memory_space<vmem_shared>> -> memref<10112x128xf32, #tpu.memory_space<vmem_shared>>
        tpu.wait_indirect_dma semaphore(%arg14 : memref<!tpu.dma_semaphore, #tpu.memory_space<semaphore_mem>>) src(%dma_wait3A_110 : memref<104x128xf32, #tpu.memory_space<vmem>>) dst(%dma_wait3A_116 : memref<10112x128xf32, #tpu.memory_space<vmem_shared>>)
      } else {
      }
      %lt3A = arith.constant 97 : i32
      %lt3A_66 = arith.cmpi slt, %add3A_41, %lt3A : i32
      %convert_element_type3A_67 = arith.extui %lt3A_66 : i1 to i32
      %cond3A_68 = arith.constant 0 : i32
      %cond3A_69 = arith.cmpi ne, %convert_element_type3A_67, %cond3A_68 : i32
      scf.if %cond3A_69 {
        %add3A_106 = arith.constant 1 : i32
        %add3A_107 = arith.addi %add3A_41, %add3A_106 : i32
        %mul3A_108 = arith.constant 104 : i32
        %mul3A_109 = arith.muli %add3A_107, %mul3A_108 : i32
        %dma_start3A_110 = arith.constant 1 : i32
        %dma_start3A_111 = arith.constant 0 : i32
        %dma_start3A_112 = arith.constant 0 : i32
        %dma_start3A_113 = tpu.memref_slice %arg9[%dma_start3A_110, %dma_start3A_111, %dma_start3A_112] : memref<2x104x128xf32, #tpu.memory_space<vmem>> -> memref<1x104x128xf32, #tpu.memory_space<vmem>>
        %dma_start3A_114 = tpu.memref_squeeze %dma_start3A_113 : memref<1x104x128xf32, #tpu.memory_space<vmem>> -> memref<104x128xf32, #tpu.memory_space<vmem>>
        %dma_start3A_115 = tpu.memref_slice %arg7[%mul3A_109] : memref<10192xi32, #tpu.memory_space<vmem>> -> memref<104xi32, #tpu.memory_space<vmem>>
        %dma_start3A_116 = arith.constant 0 : i32
        %dma_start3A_117 = arith.constant 0 : i32
        %dma_start3A_118 = tpu.memref_slice %arg2[%dma_start3A_116, %dma_start3A_117] : memref<10112x128xf32, #tpu.memory_space<hbm>> -> memref<10112x128xf32, #tpu.memory_space<hbm>>
        tpu.enqueue_indirect_dma source(%dma_start3A_118 : memref<10112x128xf32, #tpu.memory_space<hbm>>) target(%dma_start3A_114 : memref<104x128xf32, #tpu.memory_space<vmem>>) offsets(%dma_start3A_115 : memref<104xi32, #tpu.memory_space<vmem>>) semaphore(%arg12 : memref<!tpu.dma_semaphore, #tpu.memory_space<semaphore_mem>>)
      } else {
      }
      %mul3A_70 = arith.constant 2 : i32
      %mul3A_71 = arith.muli %scan3A_37, %mul3A_70 : i32
      %add3A_72 = arith.constant 1 : i32
      %add3A_73 = arith.addi %mul3A_71, %add3A_72 : i32
      %mul3A_74 = arith.constant 104 : i32
      %mul3A_75 = arith.muli %add3A_73, %mul3A_74 : i32
      %dma_wait3A_76 = arith.constant 1 : i32
      %dma_wait3A_77 = arith.constant 0 : i32
      %dma_wait3A_78 = arith.constant 0 : i32
      %dma_wait3A_79 = tpu.memref_slice %arg9[%dma_wait3A_76, %dma_wait3A_77, %dma_wait3A_78] : memref<2x104x128xf32, #tpu.memory_space<vmem>> -> memref<1x104x128xf32, #tpu.memory_space<vmem>>
      %dma_wait3A_80 = tpu.memref_squeeze %dma_wait3A_79 : memref<1x104x128xf32, #tpu.memory_space<vmem>> -> memref<104x128xf32, #tpu.memory_space<vmem>>
      %dma_wait3A_81 = tpu.memref_slice %arg7[%mul3A_75] : memref<10192xi32, #tpu.memory_space<vmem>> -> memref<104xi32, #tpu.memory_space<vmem>>
      %dma_wait3A_82 = arith.constant 0 : i32
      %dma_wait3A_83 = arith.constant 0 : i32
      %dma_wait3A_84 = tpu.memref_slice %arg2[%dma_wait3A_82, %dma_wait3A_83] : memref<10112x128xf32, #tpu.memory_space<hbm>> -> memref<10112x128xf32, #tpu.memory_space<hbm>>
      tpu.wait_indirect_dma semaphore(%arg12 : memref<!tpu.dma_semaphore, #tpu.memory_space<semaphore_mem>>) src(%dma_wait3A_84 : memref<10112x128xf32, #tpu.memory_space<hbm>>) dst(%dma_wait3A_80 : memref<104x128xf32, #tpu.memory_space<vmem>>)
      %dma_start3A_85 = arith.constant 1 : i32
      %dma_start3A_86 = arith.constant 0 : i32
      %dma_start3A_87 = arith.constant 0 : i32
      %dma_start3A_88 = tpu.memref_slice %arg9[%dma_start3A_85, %dma_start3A_86, %dma_start3A_87] : memref<2x104x128xf32, #tpu.memory_space<vmem>> -> memref<1x104x128xf32, #tpu.memory_space<vmem>>
      %dma_start3A_89 = tpu.memref_squeeze %dma_start3A_88 : memref<1x104x128xf32, #tpu.memory_space<vmem>> -> memref<104x128xf32, #tpu.memory_space<vmem>>
      %dma_start3A_90 = arith.constant 0 : i32
      %dma_start3A_91 = tpu.memref_slice %arg8[%add3A_73, %dma_start3A_90] : memref<98x104xi32, #tpu.memory_space<vmem>> -> memref<1x104xi32, #tpu.memory_space<vmem>>
      %dma_start3A_92 = tpu.memref_squeeze %dma_start3A_91 : memref<1x104xi32, #tpu.memory_space<vmem>> -> memref<104xi32, #tpu.memory_space<vmem>>
      %dma_start3A_93 = arith.constant 0 : i32
      %dma_start3A_94 = arith.constant 0 : i32
      %dma_start3A_95 = tpu.memref_slice %arg10[%dma_start3A_93, %dma_start3A_94] : memref<10112x128xf32, #tpu.memory_space<vmem_shared>> -> memref<10112x128xf32, #tpu.memory_space<vmem_shared>>
      tpu.enqueue_indirect_dma source(%dma_start3A_89 : memref<104x128xf32, #tpu.memory_space<vmem>>) target(%dma_start3A_95 : memref<10112x128xf32, #tpu.memory_space<vmem_shared>>) offsets(%dma_start3A_92 : memref<104xi32, #tpu.memory_space<vmem>>) semaphore(%arg14 : memref<!tpu.dma_semaphore, #tpu.memory_space<semaphore_mem>>) {add = true}
      %gt3A_96 = arith.constant 0 : i32
      %gt3A_97 = arith.cmpi sgt, %add3A_73, %gt3A_96 : i32
      %convert_element_type3A_98 = arith.extui %gt3A_97 : i1 to i32
      %cond3A_99 = arith.constant 0 : i32
      %cond3A_100 = arith.cmpi ne, %convert_element_type3A_98, %cond3A_99 : i32
      scf.if %cond3A_100 {
        %dma_wait3A_106 = arith.constant 0 : i32
        %dma_wait3A_107 = arith.constant 0 : i32
        %dma_wait3A_108 = arith.constant 0 : i32
        %dma_wait3A_109 = tpu.memref_slice %arg9[%dma_wait3A_106, %dma_wait3A_107, %dma_wait3A_108] : memref<2x104x128xf32, #tpu.memory_space<vmem>> -> memref<1x104x128xf32, #tpu.memory_space<vmem>>
        %dma_wait3A_110 = tpu.memref_squeeze %dma_wait3A_109 : memref<1x104x128xf32, #tpu.memory_space<vmem>> -> memref<104x128xf32, #tpu.memory_space<vmem>>
        %dma_wait3A_111 = arith.constant 0 : i32
        %dma_wait3A_112 = tpu.memref_slice %arg8[%add3A_73, %dma_wait3A_111] : memref<98x104xi32, #tpu.memory_space<vmem>> -> memref<1x104xi32, #tpu.memory_space<vmem>>
        %dma_wait3A_113 = tpu.memref_squeeze %dma_wait3A_112 : memref<1x104xi32, #tpu.memory_space<vmem>> -> memref<104xi32, #tpu.memory_space<vmem>>
        %dma_wait3A_114 = arith.constant 0 : i32
        %dma_wait3A_115 = arith.constant 0 : i32
        %dma_wait3A_116 = tpu.memref_slice %arg10[%dma_wait3A_114, %dma_wait3A_115] : memref<10112x128xf32, #tpu.memory_space<vmem_shared>> -> memref<10112x128xf32, #tpu.memory_space<vmem_shared>>
        tpu.wait_indirect_dma semaphore(%arg13 : memref<!tpu.dma_semaphore, #tpu.memory_space<semaphore_mem>>) src(%dma_wait3A_110 : memref<104x128xf32, #tpu.memory_space<vmem>>) dst(%dma_wait3A_116 : memref<10112x128xf32, #tpu.memory_space<vmem_shared>>)
      } else {
      }
      %lt3A_101 = arith.constant 97 : i32
      %lt3A_102 = arith.cmpi slt, %add3A_73, %lt3A_101 : i32
      %convert_element_type3A_103 = arith.extui %lt3A_102 : i1 to i32
      %cond3A_104 = arith.constant 0 : i32
      %cond3A_105 = arith.cmpi ne, %convert_element_type3A_103, %cond3A_104 : i32
      scf.if %cond3A_105 {
        %add3A_106 = arith.constant 1 : i32
        %add3A_107 = arith.addi %add3A_73, %add3A_106 : i32
        %mul3A_108 = arith.constant 104 : i32
        %mul3A_109 = arith.muli %add3A_107, %mul3A_108 : i32
        %dma_start3A_110 = arith.constant 0 : i32
        %dma_start3A_111 = arith.constant 0 : i32
        %dma_start3A_112 = arith.constant 0 : i32
        %dma_start3A_113 = tpu.memref_slice %arg9[%dma_start3A_110, %dma_start3A_111, %dma_start3A_112] : memref<2x104x128xf32, #tpu.memory_space<vmem>> -> memref<1x104x128xf32, #tpu.memory_space<vmem>>
        %dma_start3A_114 = tpu.memref_squeeze %dma_start3A_113 : memref<1x104x128xf32, #tpu.memory_space<vmem>> -> memref<104x128xf32, #tpu.memory_space<vmem>>
        %dma_start3A_115 = tpu.memref_slice %arg7[%mul3A_109] : memref<10192xi32, #tpu.memory_space<vmem>> -> memref<104xi32, #tpu.memory_space<vmem>>
        %dma_start3A_116 = arith.constant 0 : i32
        %dma_start3A_117 = arith.constant 0 : i32
        %dma_start3A_118 = tpu.memref_slice %arg2[%dma_start3A_116, %dma_start3A_117] : memref<10112x128xf32, #tpu.memory_space<hbm>> -> memref<10112x128xf32, #tpu.memory_space<hbm>>
        tpu.enqueue_indirect_dma source(%dma_start3A_118 : memref<10112x128xf32, #tpu.memory_space<hbm>>) target(%dma_start3A_114 : memref<104x128xf32, #tpu.memory_space<vmem>>) offsets(%dma_start3A_115 : memref<104xi32, #tpu.memory_space<vmem>>) semaphore(%arg11 : memref<!tpu.dma_semaphore, #tpu.memory_space<semaphore_mem>>)
      } else {
      }
    }
    %scan3A_20 = arith.constant 49 : i32
    %dma_wait3A = arith.constant 1 : i32
    %dma_wait3A_21 = arith.constant 0 : i32
    %dma_wait3A_22 = arith.constant 0 : i32
    %dma_wait3A_23 = arith.constant 0 : i32
    %dma_wait3A_24 = tpu.memref_slice %arg9[%dma_wait3A, %dma_wait3A_22, %dma_wait3A_23] : memref<2x104x128xf32, #tpu.memory_space<vmem>> -> memref<1x104x128xf32, #tpu.memory_space<vmem>>
    %dma_wait3A_25 = tpu.memref_squeeze %dma_wait3A_24 : memref<1x104x128xf32, #tpu.memory_space<vmem>> -> memref<104x128xf32, #tpu.memory_space<vmem>>
    %dma_wait3A_26 = arith.constant 0 : i32
    %dma_wait3A_27 = tpu.memref_slice %arg8[%dma_wait3A_21, %dma_wait3A_26] : memref<98x104xi32, #tpu.memory_space<vmem>> -> memref<1x104xi32, #tpu.memory_space<vmem>>
    %dma_wait3A_28 = tpu.memref_squeeze %dma_wait3A_27 : memref<1x104xi32, #tpu.memory_space<vmem>> -> memref<104xi32, #tpu.memory_space<vmem>>
    %dma_wait3A_29 = arith.constant 0 : i32
    %dma_wait3A_30 = arith.constant 0 : i32
    %dma_wait3A_31 = tpu.memref_slice %arg10[%dma_wait3A_29, %dma_wait3A_30] : memref<10112x128xf32, #tpu.memory_space<vmem_shared>> -> memref<10112x128xf32, #tpu.memory_space<vmem_shared>>
    tpu.wait_indirect_dma semaphore(%arg14 : memref<!tpu.dma_semaphore, #tpu.memory_space<semaphore_mem>>) src(%dma_wait3A_25 : memref<104x128xf32, #tpu.memory_space<vmem>>) dst(%dma_wait3A_31 : memref<10112x128xf32, #tpu.memory_space<vmem_shared>>)
    %barrier3A_32 = arith.constant 0 : index
    tpu.barrier barrier_id(%barrier3A_32)
    %mul3A_33 = arith.constant 632 : i32
    %mul3A_34 = arith.muli %arg1, %mul3A_33 : i32
    %mul3A_35 = arith.constant 632 : i32
    %mul3A_36 = arith.muli %arg1, %mul3A_35 : i32
    "tpu.region"() ({
      %run_scoped3A = tpu.sem_alloc : memref<!tpu.dma_semaphore, #tpu.memory_space<semaphore_mem>>
      %dma_start3A_37 = arith.constant 0 : i32
      %dma_start3A_38 = tpu.memref_slice %arg6[%arg0, %mul3A_36, %dma_start3A_37] : memref<2x10112x128xf32, #tpu.memory_space<hbm>> -> memref<1x632x128xf32, #tpu.memory_space<hbm>>
      %dma_start3A_39 = tpu.memref_squeeze %dma_start3A_38 : memref<1x632x128xf32, #tpu.memory_space<hbm>> -> memref<632x128xf32, #tpu.memory_space<hbm>>
      %dma_start3A_40 = arith.constant 0 : i32
      %dma_start3A_41 = tpu.memref_slice %arg10[%mul3A_34, %dma_start3A_40] : memref<10112x128xf32, #tpu.memory_space<vmem_shared>> -> memref<632x128xf32, #tpu.memory_space<vmem_shared>>
      tpu.enqueue_dma source(%dma_start3A_41 : memref<632x128xf32, #tpu.memory_space<vmem_shared>>) target(%dma_start3A_39 : memref<632x128xf32, #tpu.memory_space<hbm>>) target_semaphore(%run_scoped3A : memref<!tpu.dma_semaphore, #tpu.memory_space<semaphore_mem>>)
      %dma_wait3A_42 = arith.constant 0 : i32
      %dma_wait3A_43 = tpu.memref_slice %arg6[%arg0, %mul3A_36, %dma_wait3A_42] : memref<2x10112x128xf32, #tpu.memory_space<hbm>> -> memref<1x632x128xf32, #tpu.memory_space<hbm>>
      %dma_wait3A_44 = tpu.memref_squeeze %dma_wait3A_43 : memref<1x632x128xf32, #tpu.memory_space<hbm>> -> memref<632x128xf32, #tpu.memory_space<hbm>>
      %dma_wait3A_45 = arith.constant 0 : i32
      %dma_wait3A_46 = tpu.memref_slice %arg10[%mul3A_34, %dma_wait3A_45] : memref<10112x128xf32, #tpu.memory_space<vmem_shared>> -> memref<632x128xf32, #tpu.memory_space<vmem_shared>>
      tpu.wait_dma2 semaphore(%run_scoped3A : memref<!tpu.dma_semaphore, #tpu.memory_space<semaphore_mem>>) src(%dma_wait3A_46 : memref<632x128xf32, #tpu.memory_space<vmem_shared>>) dst(%dma_wait3A_44 : memref<632x128xf32, #tpu.memory_space<hbm>>)
      tpu.yield
    }) : () -> ()
    return
  }
}

#map = affine_map<(d0, d1) -> (0, 0)>
#map1 = affine_map<(d0, d1) -> (0)>
#map2 = affine_map<(d0, d1) -> (0, 0, 0)>
module attributes {stable_mosaic.version = 14 : i64} {
  func.func @seg_kernel(%arg0: i32, %arg1: i32, %arg2: memref<10112x128xf32, #tpu.memory_space<hbm>>, %arg3: memref<326144xi32, #tpu.memory_space<hbm>>, %arg4: memref<32x98x104xi32, #tpu.memory_space<hbm>>, %arg5: memref<10112x128xf32, #tpu.memory_space<hbm>>, %arg6: memref<2x10112x128xf32, #tpu.memory_space<hbm>>, %arg7: memref<10192xi32, #tpu.memory_space<vmem>>, %arg8: memref<98x104xi32, #tpu.memory_space<vmem>>, %arg9: memref<2x104x128xf32, #tpu.memory_space<vmem>>, %arg10: memref<10112x128xf32, #tpu.memory_space<vmem_shared>>, %arg11: memref<!tpu.dma_semaphore, #tpu.memory_space<semaphore_mem>>, %arg12: memref<!tpu.dma_semaphore, #tpu.memory_space<semaphore_mem>>, %arg13: memref<!tpu.dma_semaphore, #tpu.memory_space<semaphore_mem>>, %arg14: memref<!tpu.dma_semaphore, #tpu.memory_space<semaphore_mem>>) attributes {dimension_semantics = [#tpu.dimension_semantics<core_parallel>, #tpu.dimension_semantics<subcore_parallel>], iteration_bounds = array<i64: 2, 16>, scalar_prefetch = 0 : i64, scratch_operands = 8 : i64, tpu.core_type = #tpu.core_type<sc_vector_subcore>, window_params = [{transform_indices = #map}, {transform_indices = #map1}, {transform_indices = #map2}, {transform_indices = #map}, {transform_indices = #map2}]} {
    %mul3A = arith.constant 2 : i32
    %mul3A_0 = arith.muli %arg1, %mul3A : i32
    %add3A = arith.addi %mul3A_0, %arg0 : i32
    %mul3A_1 = arith.constant 632 : i32
    %mul3A_2 = arith.muli %arg1, %mul3A_1 : i32
    %mul3A_3 = arith.constant 632 : i32
    %mul3A_4 = arith.muli %arg1, %mul3A_3 : i32
    "tpu.region"() ({
      %run_scoped3A = tpu.sem_alloc : memref<!tpu.dma_semaphore, #tpu.memory_space<semaphore_mem>>
      %dma_start3A_37 = arith.constant 0 : i32
      %dma_start3A_38 = tpu.memref_slice %arg10[%mul3A_4, %dma_start3A_37] : memref<10112x128xf32, #tpu.memory_space<vmem_shared>> -> memref<632x128xf32, #tpu.memory_space<vmem_shared>>
      %dma_start3A_39 = arith.constant 0 : i32
      %dma_start3A_40 = tpu.memref_slice %arg5[%mul3A_2, %dma_start3A_39] : memref<10112x128xf32, #tpu.memory_space<hbm>> -> memref<632x128xf32, #tpu.memory_space<hbm>>
      tpu.enqueue_dma source(%dma_start3A_40 : memref<632x128xf32, #tpu.memory_space<hbm>>) target(%dma_start3A_38 : memref<632x128xf32, #tpu.memory_space<vmem_shared>>) target_semaphore(%run_scoped3A : memref<!tpu.dma_semaphore, #tpu.memory_space<semaphore_mem>>)
      %dma_wait3A_41 = arith.constant 0 : i32
      %dma_wait3A_42 = tpu.memref_slice %arg10[%mul3A_4, %dma_wait3A_41] : memref<10112x128xf32, #tpu.memory_space<vmem_shared>> -> memref<632x128xf32, #tpu.memory_space<vmem_shared>>
      %dma_wait3A_43 = arith.constant 0 : i32
      %dma_wait3A_44 = tpu.memref_slice %arg5[%mul3A_2, %dma_wait3A_43] : memref<10112x128xf32, #tpu.memory_space<hbm>> -> memref<632x128xf32, #tpu.memory_space<hbm>>
      tpu.wait_dma2 semaphore(%run_scoped3A : memref<!tpu.dma_semaphore, #tpu.memory_space<semaphore_mem>>) src(%dma_wait3A_44 : memref<632x128xf32, #tpu.memory_space<hbm>>) dst(%dma_wait3A_42 : memref<632x128xf32, #tpu.memory_space<vmem_shared>>)
      tpu.yield
    }) : () -> ()
    %mul3A_5 = arith.constant 10192 : i32
    %mul3A_6 = arith.muli %add3A, %mul3A_5 : i32
    "tpu.region"() ({
      %run_scoped3A = tpu.sem_alloc : memref<!tpu.dma_semaphore, #tpu.memory_space<semaphore_mem>>
      %dma_start3A_37 = tpu.memref_slice %arg3[%mul3A_6] : memref<326144xi32, #tpu.memory_space<hbm>> -> memref<10192xi32, #tpu.memory_space<hbm>>
      %dma_start3A_38 = tpu.memref_slice %arg3[%mul3A_6] : memref<326144xi32, #tpu.memory_space<hbm>> -> memref<10192xi32, #tpu.memory_space<hbm>>
      tpu.enqueue_dma source(%dma_start3A_38 : memref<10192xi32, #tpu.memory_space<hbm>>) target(%arg7 : memref<10192xi32, #tpu.memory_space<vmem>>) target_semaphore(%run_scoped3A : memref<!tpu.dma_semaphore, #tpu.memory_space<semaphore_mem>>)
      %dma_wait3A_39 = tpu.memref_slice %arg3[%mul3A_6] : memref<326144xi32, #tpu.memory_space<hbm>> -> memref<10192xi32, #tpu.memory_space<hbm>>
      %dma_wait3A_40 = tpu.memref_slice %arg3[%mul3A_6] : memref<326144xi32, #tpu.memory_space<hbm>> -> memref<10192xi32, #tpu.memory_space<hbm>>
      tpu.wait_dma2 semaphore(%run_scoped3A : memref<!tpu.dma_semaphore, #tpu.memory_space<semaphore_mem>>) src(%dma_wait3A_40 : memref<10192xi32, #tpu.memory_space<hbm>>) dst(%arg7 : memref<10192xi32, #tpu.memory_space<vmem>>)
      tpu.yield
    }) : () -> ()
    "tpu.region"() ({
      %run_scoped3A = tpu.sem_alloc : memref<!tpu.dma_semaphore, #tpu.memory_space<semaphore_mem>>
      %dma_start3A_37 = arith.constant 0 : i32
      %dma_start3A_38 = arith.constant 0 : i32
      %dma_start3A_39 = tpu.memref_slice %arg4[%add3A, %dma_start3A_37, %dma_start3A_38] : memref<32x98x104xi32, #tpu.memory_space<hbm>> -> memref<1x98x104xi32, #tpu.memory_space<hbm>>
      %dma_start3A_40 = tpu.memref_squeeze %dma_start3A_39 : memref<1x98x104xi32, #tpu.memory_space<hbm>> -> memref<98x104xi32, #tpu.memory_space<hbm>>
      %dma_start3A_41 = arith.constant 0 : i32
      %dma_start3A_42 = arith.constant 0 : i32
      %dma_start3A_43 = tpu.memref_slice %arg4[%add3A, %dma_start3A_41, %dma_start3A_42] : memref<32x98x104xi32, #tpu.memory_space<hbm>> -> memref<1x98x104xi32, #tpu.memory_space<hbm>>
      %dma_start3A_44 = tpu.memref_squeeze %dma_start3A_43 : memref<1x98x104xi32, #tpu.memory_space<hbm>> -> memref<98x104xi32, #tpu.memory_space<hbm>>
      tpu.enqueue_dma source(%dma_start3A_44 : memref<98x104xi32, #tpu.memory_space<hbm>>) target(%arg8 : memref<98x104xi32, #tpu.memory_space<vmem>>) target_semaphore(%run_scoped3A : memref<!tpu.dma_semaphore, #tpu.memory_space<semaphore_mem>>)
      %dma_wait3A_45 = arith.constant 0 : i32
      %dma_wait3A_46 = arith.constant 0 : i32
      %dma_wait3A_47 = tpu.memref_slice %arg4[%add3A, %dma_wait3A_45, %dma_wait3A_46] : memref<32x98x104xi32, #tpu.memory_space<hbm>> -> memref<1x98x104xi32, #tpu.memory_space<hbm>>
      %dma_wait3A_48 = tpu.memref_squeeze %dma_wait3A_47 : memref<1x98x104xi32, #tpu.memory_space<hbm>> -> memref<98x104xi32, #tpu.memory_space<hbm>>
      %dma_wait3A_49 = arith.constant 0 : i32
      %dma_wait3A_50 = arith.constant 0 : i32
      %dma_wait3A_51 = tpu.memref_slice %arg4[%add3A, %dma_wait3A_49, %dma_wait3A_50] : memref<32x98x104xi32, #tpu.memory_space<hbm>> -> memref<1x98x104xi32, #tpu.memory_space<hbm>>
      %dma_wait3A_52 = tpu.memref_squeeze %dma_wait3A_51 : memref<1x98x104xi32, #tpu.memory_space<hbm>> -> memref<98x104xi32, #tpu.memory_space<hbm>>
      tpu.wait_dma2 semaphore(%run_scoped3A : memref<!tpu.dma_semaphore, #tpu.memory_space<semaphore_mem>>) src(%dma_wait3A_52 : memref<98x104xi32, #tpu.memory_space<hbm>>) dst(%arg8 : memref<98x104xi32, #tpu.memory_space<vmem>>)
      tpu.yield
    }) : () -> ()
    %barrier3A = arith.constant 0 : index
    tpu.barrier barrier_id(%barrier3A)
    %dma_start3A = arith.constant 0 : i32
    %dma_start3A_7 = arith.constant 0 : i32
    %dma_start3A_8 = arith.constant 0 : i32
    %dma_start3A_9 = tpu.memref_slice %arg9[%dma_start3A, %dma_start3A_7, %dma_start3A_8] : memref<2x104x128xf32, #tpu.memory_space<vmem>> -> memref<1x104x128xf32, #tpu.memory_space<vmem>>
    %dma_start3A_10 = tpu.memref_squeeze %dma_start3A_9 : memref<1x104x128xf32, #tpu.memory_space<vmem>> -> memref<104x128xf32, #tpu.memory_space<vmem>>
    %dma_start3A_11 = arith.constant 0 : i32
    %dma_start3A_12 = tpu.memref_slice %arg7[%dma_start3A_11] : memref<10192xi32, #tpu.memory_space<vmem>> -> memref<104xi32, #tpu.memory_space<vmem>>
    %dma_start3A_13 = arith.constant 0 : i32
    %dma_start3A_14 = arith.constant 0 : i32
    %dma_start3A_15 = tpu.memref_slice %arg2[%dma_start3A_13, %dma_start3A_14] : memref<10112x128xf32, #tpu.memory_space<hbm>> -> memref<10112x128xf32, #tpu.memory_space<hbm>>
    tpu.enqueue_indirect_dma source(%dma_start3A_15 : memref<10112x128xf32, #tpu.memory_space<hbm>>) target(%dma_start3A_10 : memref<104x128xf32, #tpu.memory_space<vmem>>) offsets(%dma_start3A_12 : memref<104xi32, #tpu.memory_space<vmem>>) semaphore(%arg11 : memref<!tpu.dma_semaphore, #tpu.memory_space<semaphore_mem>>)
    %scan3A = arith.constant 0 : i32
    %scan3A_16 = arith.constant 0 : i32
    %scan3A_17 = arith.constant 49 : i32
    %scan3A_18 = arith.addi %scan3A_16, %scan3A_17 : i32
    %scan3A_19 = arith.constant 1 : i32
    scf.for %scan3A_37 = %scan3A_16 to %scan3A_18 step %scan3A_19  : i32 {
      %mul3A_38 = arith.constant 2 : i32
      %mul3A_39 = arith.muli %scan3A_37, %mul3A_38 : i32
      %add3A_40 = arith.constant 0 : i32
      %add3A_41 = arith.addi %mul3A_39, %add3A_40 : i32
      %mul3A_42 = arith.constant 104 : i32
      %mul3A_43 = arith.muli %add3A_41, %mul3A_42 : i32
      %dma_wait3A_44 = arith.constant 0 : i32
      %dma_wait3A_45 = arith.constant 0 : i32
      %dma_wait3A_46 = arith.constant 0 : i32
      %dma_wait3A_47 = tpu.memref_slice %arg9[%dma_wait3A_44, %dma_wait3A_45, %dma_wait3A_46] : memref<2x104x128xf32, #tpu.memory_space<vmem>> -> memref<1x104x128xf32, #tpu.memory_space<vmem>>
      %dma_wait3A_48 = tpu.memref_squeeze %dma_wait3A_47 : memref<1x104x128xf32, #tpu.memory_space<vmem>> -> memref<104x128xf32, #tpu.memory_space<vmem>>
      %dma_wait3A_49 = tpu.memref_slice %arg7[%mul3A_43] : memref<10192xi32, #tpu.memory_space<vmem>> -> memref<104xi32, #tpu.memory_space<vmem>>
      %dma_wait3A_50 = arith.constant 0 : i32
      %dma_wait3A_51 = arith.constant 0 : i32
      %dma_wait3A_52 = tpu.memref_slice %arg2[%dma_wait3A_50, %dma_wait3A_51] : memref<10112x128xf32, #tpu.memory_space<hbm>> -> memref<10112x128xf32, #tpu.memory_space<hbm>>
      tpu.wait_indirect_dma semaphore(%arg11 : memref<!tpu.dma_semaphore, #tpu.memory_space<semaphore_mem>>) src(%dma_wait3A_52 : memref<10112x128xf32, #tpu.memory_space<hbm>>) dst(%dma_wait3A_48 : memref<104x128xf32, #tpu.memory_space<vmem>>)
      %dma_start3A_53 = arith.constant 0 : i32
      %dma_start3A_54 = arith.constant 0 : i32
      %dma_start3A_55 = arith.constant 0 : i32
      %dma_start3A_56 = tpu.memref_slice %arg9[%dma_start3A_53, %dma_start3A_54, %dma_start3A_55] : memref<2x104x128xf32, #tpu.memory_space<vmem>> -> memref<1x104x128xf32, #tpu.memory_space<vmem>>
      %dma_start3A_57 = tpu.memref_squeeze %dma_start3A_56 : memref<1x104x128xf32, #tpu.memory_space<vmem>> -> memref<104x128xf32, #tpu.memory_space<vmem>>
      %dma_start3A_58 = arith.constant 0 : i32
      %dma_start3A_59 = tpu.memref_slice %arg8[%add3A_41, %dma_start3A_58] : memref<98x104xi32, #tpu.memory_space<vmem>> -> memref<1x104xi32, #tpu.memory_space<vmem>>
      %dma_start3A_60 = tpu.memref_squeeze %dma_start3A_59 : memref<1x104xi32, #tpu.memory_space<vmem>> -> memref<104xi32, #tpu.memory_space<vmem>>
      %dma_start3A_61 = arith.constant 0 : i32
      %dma_start3A_62 = arith.constant 0 : i32
      %dma_start3A_63 = tpu.memref_slice %arg10[%dma_start3A_61, %dma_start3A_62] : memref<10112x128xf32, #tpu.memory_space<vmem_shared>> -> memref<10112x128xf32, #tpu.memory_space<vmem_shared>>
      tpu.enqueue_indirect_dma source(%dma_start3A_57 : memref<104x128xf32, #tpu.memory_space<vmem>>) target(%dma_start3A_63 : memref<10112x128xf32, #tpu.memory_space<vmem_shared>>) offsets(%dma_start3A_60 : memref<104xi32, #tpu.memory_space<vmem>>) semaphore(%arg13 : memref<!tpu.dma_semaphore, #tpu.memory_space<semaphore_mem>>) {add = true}
      %gt3A = arith.constant 0 : i32
      %gt3A_64 = arith.cmpi sgt, %add3A_41, %gt3A : i32
      %convert_element_type3A = arith.extui %gt3A_64 : i1 to i32
      %cond3A = arith.constant 0 : i32
      %cond3A_65 = arith.cmpi ne, %convert_element_type3A, %cond3A : i32
      scf.if %cond3A_65 {
        %dma_wait3A_106 = arith.constant 1 : i32
        %dma_wait3A_107 = arith.constant 0 : i32
        %dma_wait3A_108 = arith.constant 0 : i32
        %dma_wait3A_109 = tpu.memref_slice %arg9[%dma_wait3A_106, %dma_wait3A_107, %dma_wait3A_108] : memref<2x104x128xf32, #tpu.memory_space<vmem>> -> memref<1x104x128xf32, #tpu.memory_space<vmem>>
        %dma_wait3A_110 = tpu.memref_squeeze %dma_wait3A_109 : memref<1x104x128xf32, #tpu.memory_space<vmem>> -> memref<104x128xf32, #tpu.memory_space<vmem>>
        %dma_wait3A_111 = arith.constant 0 : i32
        %dma_wait3A_112 = tpu.memref_slice %arg8[%add3A_41, %dma_wait3A_111] : memref<98x104xi32, #tpu.memory_space<vmem>> -> memref<1x104xi32, #tpu.memory_space<vmem>>
        %dma_wait3A_113 = tpu.memref_squeeze %dma_wait3A_112 : memref<1x104xi32, #tpu.memory_space<vmem>> -> memref<104xi32, #tpu.memory_space<vmem>>
        %dma_wait3A_114 = arith.constant 0 : i32
        %dma_wait3A_115 = arith.constant 0 : i32
        %dma_wait3A_116 = tpu.memref_slice %arg10[%dma_wait3A_114, %dma_wait3A_115] : memref<10112x128xf32, #tpu.memory_space<vmem_shared>> -> memref<10112x128xf32, #tpu.memory_space<vmem_shared>>
        tpu.wait_indirect_dma semaphore(%arg14 : memref<!tpu.dma_semaphore, #tpu.memory_space<semaphore_mem>>) src(%dma_wait3A_110 : memref<104x128xf32, #tpu.memory_space<vmem>>) dst(%dma_wait3A_116 : memref<10112x128xf32, #tpu.memory_space<vmem_shared>>)
      } else {
      }
      %lt3A = arith.constant 97 : i32
      %lt3A_66 = arith.cmpi slt, %add3A_41, %lt3A : i32
      %convert_element_type3A_67 = arith.extui %lt3A_66 : i1 to i32
      %cond3A_68 = arith.constant 0 : i32
      %cond3A_69 = arith.cmpi ne, %convert_element_type3A_67, %cond3A_68 : i32
      scf.if %cond3A_69 {
        %add3A_106 = arith.constant 1 : i32
        %add3A_107 = arith.addi %add3A_41, %add3A_106 : i32
        %mul3A_108 = arith.constant 104 : i32
        %mul3A_109 = arith.muli %add3A_107, %mul3A_108 : i32
        %dma_start3A_110 = arith.constant 1 : i32
        %dma_start3A_111 = arith.constant 0 : i32
        %dma_start3A_112 = arith.constant 0 : i32
        %dma_start3A_113 = tpu.memref_slice %arg9[%dma_start3A_110, %dma_start3A_111, %dma_start3A_112] : memref<2x104x128xf32, #tpu.memory_space<vmem>> -> memref<1x104x128xf32, #tpu.memory_space<vmem>>
        %dma_start3A_114 = tpu.memref_squeeze %dma_start3A_113 : memref<1x104x128xf32, #tpu.memory_space<vmem>> -> memref<104x128xf32, #tpu.memory_space<vmem>>
        %dma_start3A_115 = tpu.memref_slice %arg7[%mul3A_109] : memref<10192xi32, #tpu.memory_space<vmem>> -> memref<104xi32, #tpu.memory_space<vmem>>
        %dma_start3A_116 = arith.constant 0 : i32
        %dma_start3A_117 = arith.constant 0 : i32
        %dma_start3A_118 = tpu.memref_slice %arg2[%dma_start3A_116, %dma_start3A_117] : memref<10112x128xf32, #tpu.memory_space<hbm>> -> memref<10112x128xf32, #tpu.memory_space<hbm>>
        tpu.enqueue_indirect_dma source(%dma_start3A_118 : memref<10112x128xf32, #tpu.memory_space<hbm>>) target(%dma_start3A_114 : memref<104x128xf32, #tpu.memory_space<vmem>>) offsets(%dma_start3A_115 : memref<104xi32, #tpu.memory_space<vmem>>) semaphore(%arg12 : memref<!tpu.dma_semaphore, #tpu.memory_space<semaphore_mem>>)
      } else {
      }
      %mul3A_70 = arith.constant 2 : i32
      %mul3A_71 = arith.muli %scan3A_37, %mul3A_70 : i32
      %add3A_72 = arith.constant 1 : i32
      %add3A_73 = arith.addi %mul3A_71, %add3A_72 : i32
      %mul3A_74 = arith.constant 104 : i32
      %mul3A_75 = arith.muli %add3A_73, %mul3A_74 : i32
      %dma_wait3A_76 = arith.constant 1 : i32
      %dma_wait3A_77 = arith.constant 0 : i32
      %dma_wait3A_78 = arith.constant 0 : i32
      %dma_wait3A_79 = tpu.memref_slice %arg9[%dma_wait3A_76, %dma_wait3A_77, %dma_wait3A_78] : memref<2x104x128xf32, #tpu.memory_space<vmem>> -> memref<1x104x128xf32, #tpu.memory_space<vmem>>
      %dma_wait3A_80 = tpu.memref_squeeze %dma_wait3A_79 : memref<1x104x128xf32, #tpu.memory_space<vmem>> -> memref<104x128xf32, #tpu.memory_space<vmem>>
      %dma_wait3A_81 = tpu.memref_slice %arg7[%mul3A_75] : memref<10192xi32, #tpu.memory_space<vmem>> -> memref<104xi32, #tpu.memory_space<vmem>>
      %dma_wait3A_82 = arith.constant 0 : i32
      %dma_wait3A_83 = arith.constant 0 : i32
      %dma_wait3A_84 = tpu.memref_slice %arg2[%dma_wait3A_82, %dma_wait3A_83] : memref<10112x128xf32, #tpu.memory_space<hbm>> -> memref<10112x128xf32, #tpu.memory_space<hbm>>
      tpu.wait_indirect_dma semaphore(%arg12 : memref<!tpu.dma_semaphore, #tpu.memory_space<semaphore_mem>>) src(%dma_wait3A_84 : memref<10112x128xf32, #tpu.memory_space<hbm>>) dst(%dma_wait3A_80 : memref<104x128xf32, #tpu.memory_space<vmem>>)
      %dma_start3A_85 = arith.constant 1 : i32
      %dma_start3A_86 = arith.constant 0 : i32
      %dma_start3A_87 = arith.constant 0 : i32
      %dma_start3A_88 = tpu.memref_slice %arg9[%dma_start3A_85, %dma_start3A_86, %dma_start3A_87] : memref<2x104x128xf32, #tpu.memory_space<vmem>> -> memref<1x104x128xf32, #tpu.memory_space<vmem>>
      %dma_start3A_89 = tpu.memref_squeeze %dma_start3A_88 : memref<1x104x128xf32, #tpu.memory_space<vmem>> -> memref<104x128xf32, #tpu.memory_space<vmem>>
      %dma_start3A_90 = arith.constant 0 : i32
      %dma_start3A_91 = tpu.memref_slice %arg8[%add3A_73, %dma_start3A_90] : memref<98x104xi32, #tpu.memory_space<vmem>> -> memref<1x104xi32, #tpu.memory_space<vmem>>
      %dma_start3A_92 = tpu.memref_squeeze %dma_start3A_91 : memref<1x104xi32, #tpu.memory_space<vmem>> -> memref<104xi32, #tpu.memory_space<vmem>>
      %dma_start3A_93 = arith.constant 0 : i32
      %dma_start3A_94 = arith.constant 0 : i32
      %dma_start3A_95 = tpu.memref_slice %arg10[%dma_start3A_93, %dma_start3A_94] : memref<10112x128xf32, #tpu.memory_space<vmem_shared>> -> memref<10112x128xf32, #tpu.memory_space<vmem_shared>>
      tpu.enqueue_indirect_dma source(%dma_start3A_89 : memref<104x128xf32, #tpu.memory_space<vmem>>) target(%dma_start3A_95 : memref<10112x128xf32, #tpu.memory_space<vmem_shared>>) offsets(%dma_start3A_92 : memref<104xi32, #tpu.memory_space<vmem>>) semaphore(%arg14 : memref<!tpu.dma_semaphore, #tpu.memory_space<semaphore_mem>>) {add = true}
      %gt3A_96 = arith.constant 0 : i32
      %gt3A_97 = arith.cmpi sgt, %add3A_73, %gt3A_96 : i32
      %convert_element_type3A_98 = arith.extui %gt3A_97 : i1 to i32
      %cond3A_99 = arith.constant 0 : i32
      %cond3A_100 = arith.cmpi ne, %convert_element_type3A_98, %cond3A_99 : i32
      scf.if %cond3A_100 {
        %dma_wait3A_106 = arith.constant 0 : i32
        %dma_wait3A_107 = arith.constant 0 : i32
        %dma_wait3A_108 = arith.constant 0 : i32
        %dma_wait3A_109 = tpu.memref_slice %arg9[%dma_wait3A_106, %dma_wait3A_107, %dma_wait3A_108] : memref<2x104x128xf32, #tpu.memory_space<vmem>> -> memref<1x104x128xf32, #tpu.memory_space<vmem>>
        %dma_wait3A_110 = tpu.memref_squeeze %dma_wait3A_109 : memref<1x104x128xf32, #tpu.memory_space<vmem>> -> memref<104x128xf32, #tpu.memory_space<vmem>>
        %dma_wait3A_111 = arith.constant 0 : i32
        %dma_wait3A_112 = tpu.memref_slice %arg8[%add3A_73, %dma_wait3A_111] : memref<98x104xi32, #tpu.memory_space<vmem>> -> memref<1x104xi32, #tpu.memory_space<vmem>>
        %dma_wait3A_113 = tpu.memref_squeeze %dma_wait3A_112 : memref<1x104xi32, #tpu.memory_space<vmem>> -> memref<104xi32, #tpu.memory_space<vmem>>
        %dma_wait3A_114 = arith.constant 0 : i32
        %dma_wait3A_115 = arith.constant 0 : i32
        %dma_wait3A_116 = tpu.memref_slice %arg10[%dma_wait3A_114, %dma_wait3A_115] : memref<10112x128xf32, #tpu.memory_space<vmem_shared>> -> memref<10112x128xf32, #tpu.memory_space<vmem_shared>>
        tpu.wait_indirect_dma semaphore(%arg13 : memref<!tpu.dma_semaphore, #tpu.memory_space<semaphore_mem>>) src(%dma_wait3A_110 : memref<104x128xf32, #tpu.memory_space<vmem>>) dst(%dma_wait3A_116 : memref<10112x128xf32, #tpu.memory_space<vmem_shared>>)
      } else {
      }
      %lt3A_101 = arith.constant 97 : i32
      %lt3A_102 = arith.cmpi slt, %add3A_73, %lt3A_101 : i32
      %convert_element_type3A_103 = arith.extui %lt3A_102 : i1 to i32
      %cond3A_104 = arith.constant 0 : i32
      %cond3A_105 = arith.cmpi ne, %convert_element_type3A_103, %cond3A_104 : i32
      scf.if %cond3A_105 {
        %add3A_106 = arith.constant 1 : i32
        %add3A_107 = arith.addi %add3A_73, %add3A_106 : i32
        %mul3A_108 = arith.constant 104 : i32
        %mul3A_109 = arith.muli %add3A_107, %mul3A_108 : i32
        %dma_start3A_110 = arith.constant 0 : i32
        %dma_start3A_111 = arith.constant 0 : i32
        %dma_start3A_112 = arith.constant 0 : i32
        %dma_start3A_113 = tpu.memref_slice %arg9[%dma_start3A_110, %dma_start3A_111, %dma_start3A_112] : memref<2x104x128xf32, #tpu.memory_space<vmem>> -> memref<1x104x128xf32, #tpu.memory_space<vmem>>
        %dma_start3A_114 = tpu.memref_squeeze %dma_start3A_113 : memref<1x104x128xf32, #tpu.memory_space<vmem>> -> memref<104x128xf32, #tpu.memory_space<vmem>>
        %dma_start3A_115 = tpu.memref_slice %arg7[%mul3A_109] : memref<10192xi32, #tpu.memory_space<vmem>> -> memref<104xi32, #tpu.memory_space<vmem>>
        %dma_start3A_116 = arith.constant 0 : i32
        %dma_start3A_117 = arith.constant 0 : i32
        %dma_start3A_118 = tpu.memref_slice %arg2[%dma_start3A_116, %dma_start3A_117] : memref<10112x128xf32, #tpu.memory_space<hbm>> -> memref<10112x128xf32, #tpu.memory_space<hbm>>
        tpu.enqueue_indirect_dma source(%dma_start3A_118 : memref<10112x128xf32, #tpu.memory_space<hbm>>) target(%dma_start3A_114 : memref<104x128xf32, #tpu.memory_space<vmem>>) offsets(%dma_start3A_115 : memref<104xi32, #tpu.memory_space<vmem>>) semaphore(%arg11 : memref<!tpu.dma_semaphore, #tpu.memory_space<semaphore_mem>>)
      } else {
      }
    }
    %scan3A_20 = arith.constant 49 : i32
    %dma_wait3A = arith.constant 1 : i32
    %dma_wait3A_21 = arith.constant 0 : i32
    %dma_wait3A_22 = arith.constant 0 : i32
    %dma_wait3A_23 = arith.constant 0 : i32
    %dma_wait3A_24 = tpu.memref_slice %arg9[%dma_wait3A, %dma_wait3A_22, %dma_wait3A_23] : memref<2x104x128xf32, #tpu.memory_space<vmem>> -> memref<1x104x128xf32, #tpu.memory_space<vmem>>
    %dma_wait3A_25 = tpu.memref_squeeze %dma_wait3A_24 : memref<1x104x128xf32, #tpu.memory_space<vmem>> -> memref<104x128xf32, #tpu.memory_space<vmem>>
    %dma_wait3A_26 = arith.constant 0 : i32
    %dma_wait3A_27 = tpu.memref_slice %arg8[%dma_wait3A_21, %dma_wait3A_26] : memref<98x104xi32, #tpu.memory_space<vmem>> -> memref<1x104xi32, #tpu.memory_space<vmem>>
    %dma_wait3A_28 = tpu.memref_squeeze %dma_wait3A_27 : memref<1x104xi32, #tpu.memory_space<vmem>> -> memref<104xi32, #tpu.memory_space<vmem>>
    %dma_wait3A_29 = arith.constant 0 : i32
    %dma_wait3A_30 = arith.constant 0 : i32
    %dma_wait3A_31 = tpu.memref_slice %arg10[%dma_wait3A_29, %dma_wait3A_30] : memref<10112x128xf32, #tpu.memory_space<vmem_shared>> -> memref<10112x128xf32, #tpu.memory_space<vmem_shared>>
    tpu.wait_indirect_dma semaphore(%arg14 : memref<!tpu.dma_semaphore, #tpu.memory_space<semaphore_mem>>) src(%dma_wait3A_25 : memref<104x128xf32, #tpu.memory_space<vmem>>) dst(%dma_wait3A_31 : memref<10112x128xf32, #tpu.memory_space<vmem_shared>>)
    %barrier3A_32 = arith.constant 0 : index
    tpu.barrier barrier_id(%barrier3A_32)
    %mul3A_33 = arith.constant 632 : i32
    %mul3A_34 = arith.muli %arg1, %mul3A_33 : i32
    %mul3A_35 = arith.constant 632 : i32
    %mul3A_36 = arith.muli %arg1, %mul3A_35 : i32
    "tpu.region"() ({
      %run_scoped3A = tpu.sem_alloc : memref<!tpu.dma_semaphore, #tpu.memory_space<semaphore_mem>>
      %dma_start3A_37 = arith.constant 0 : i32
      %dma_start3A_38 = tpu.memref_slice %arg6[%arg0, %mul3A_36, %dma_start3A_37] : memref<2x10112x128xf32, #tpu.memory_space<hbm>> -> memref<1x632x128xf32, #tpu.memory_space<hbm>>
      %dma_start3A_39 = tpu.memref_squeeze %dma_start3A_38 : memref<1x632x128xf32, #tpu.memory_space<hbm>> -> memref<632x128xf32, #tpu.memory_space<hbm>>
      %dma_start3A_40 = arith.constant 0 : i32
      %dma_start3A_41 = tpu.memref_slice %arg10[%mul3A_34, %dma_start3A_40] : memref<10112x128xf32, #tpu.memory_space<vmem_shared>> -> memref<632x128xf32, #tpu.memory_space<vmem_shared>>
      tpu.enqueue_dma source(%dma_start3A_41 : memref<632x128xf32, #tpu.memory_space<vmem_shared>>) target(%dma_start3A_39 : memref<632x128xf32, #tpu.memory_space<hbm>>) target_semaphore(%run_scoped3A : memref<!tpu.dma_semaphore, #tpu.memory_space<semaphore_mem>>)
      %dma_wait3A_42 = arith.constant 0 : i32
      %dma_wait3A_43 = tpu.memref_slice %arg6[%arg0, %mul3A_36, %dma_wait3A_42] : memref<2x10112x128xf32, #tpu.memory_space<hbm>> -> memref<1x632x128xf32, #tpu.memory_space<hbm>>
      %dma_wait3A_44 = tpu.memref_squeeze %dma_wait3A_43 : memref<1x632x128xf32, #tpu.memory_space<hbm>> -> memref<632x128xf32, #tpu.memory_space<hbm>>
      %dma_wait3A_45 = arith.constant 0 : i32
      %dma_wait3A_46 = tpu.memref_slice %arg10[%mul3A_34, %dma_wait3A_45] : memref<10112x128xf32, #tpu.memory_space<vmem_shared>> -> memref<632x128xf32, #tpu.memory_space<vmem_shared>>
      tpu.wait_dma2 semaphore(%run_scoped3A : memref<!tpu.dma_semaphore, #tpu.memory_space<semaphore_mem>>) src(%dma_wait3A_46 : memref<632x128xf32, #tpu.memory_space<vmem_shared>>) dst(%dma_wait3A_44 : memref<632x128xf32, #tpu.memory_space<hbm>>)
      tpu.yield
    }) : () -> ()
    return
  }
}

module attributes {stable_mosaic.version = 14 : i64} {
  func.func @_mlp_body(%arg0: memref<10000x128xf32, #tpu.memory_space<vmem>>, %arg1: memref<128x128xf32, #tpu.memory_space<vmem>>, %arg2: memref<1x128xf32, #tpu.memory_space<vmem>>, %arg3: memref<128x128xf32, #tpu.memory_space<vmem>>, %arg4: memref<1x128xf32, #tpu.memory_space<vmem>>, %arg5: memref<10112x128xf32, #tpu.memory_space<vmem>>) attributes {dimension_semantics = [], scalar_prefetch = 0 : i64, scratch_operands = 0 : i64, tpu.core_type = #tpu.core_type<tc>} {
    %get3A = arith.constant 0 : index
    %get3A_0 = arith.constant 0 : index
    %get3A_1 = vector.load %arg0[%get3A, %get3A_0] : memref<10000x128xf32, #tpu.memory_space<vmem>>, vector<10000x128xf32>
    %get3A_2 = arith.constant 0 : index
    %get3A_3 = arith.constant 0 : index
    %get3A_4 = vector.load %arg1[%get3A_2, %get3A_3] : memref<128x128xf32, #tpu.memory_space<vmem>>, vector<128x128xf32>
    %dot_general3A = arith.constant dense<0.000000e+00> : vector<10000x128xf32>
    %dot_general3A_5 = tpu.matmul %get3A_1, %get3A_4, %dot_general3A {dimension_numbers = #tpu.dot_dimension_numbers<[1], [0], [0], [1], [0, 0, 1, 1], [], []>, transpose_lhs_hint = false} : vector<10000x128xf32>, vector<128x128xf32>, vector<10000x128xf32> -> vector<10000x128xf32>
    %get3A_6 = arith.constant 0 : index
    %get3A_7 = arith.constant 0 : index
    %get3A_8 = vector.load %arg2[%get3A_6, %get3A_7] : memref<1x128xf32, #tpu.memory_space<vmem>>, vector<1x128xf32>
    %add3A = vector.broadcast %get3A_8 : vector<1x128xf32> to vector<10000x128xf32>
    %add3A_9 = arith.addf %dot_general3A_5, %add3A : vector<10000x128xf32>
    %max3A = arith.constant 0.000000e+00 : f32
    %max3A_10 = vector.broadcast %max3A : f32 to vector<10000x128xf32>
    %max3A_11 = arith.maximumf %add3A_9, %max3A_10 : vector<10000x128xf32>
    %get3A_12 = arith.constant 0 : index
    %get3A_13 = arith.constant 0 : index
    %get3A_14 = vector.load %arg3[%get3A_12, %get3A_13] : memref<128x128xf32, #tpu.memory_space<vmem>>, vector<128x128xf32>
    %dot_general3A_15 = arith.constant dense<0.000000e+00> : vector<10000x128xf32>
    %dot_general3A_16 = tpu.matmul %max3A_11, %get3A_14, %dot_general3A_15 {dimension_numbers = #tpu.dot_dimension_numbers<[1], [0], [0], [1], [0, 0, 1, 1], [], []>, transpose_lhs_hint = false} : vector<10000x128xf32>, vector<128x128xf32>, vector<10000x128xf32> -> vector<10000x128xf32>
    %get3A_17 = arith.constant 0 : index
    %get3A_18 = arith.constant 0 : index
    %get3A_19 = vector.load %arg4[%get3A_17, %get3A_18] : memref<1x128xf32, #tpu.memory_space<vmem>>, vector<1x128xf32>
    %add3A_20 = vector.broadcast %get3A_19 : vector<1x128xf32> to vector<10000x128xf32>
    %add3A_21 = arith.addf %dot_general3A_16, %add3A_20 : vector<10000x128xf32>
    %max3A_22 = arith.constant 0.000000e+00 : f32
    %max3A_23 = vector.broadcast %max3A_22 : f32 to vector<10000x128xf32>
    %max3A_24 = arith.maximumf %add3A_21, %max3A_23 : vector<10000x128xf32>
    %swap3A = arith.constant 0 : index
    %swap3A_25 = arith.constant 0 : index
    %swap3A_26 = vector.load %arg5[%swap3A, %swap3A_25] : memref<10112x128xf32, #tpu.memory_space<vmem>>, vector<10000x128xf32>
    tpu.vector_store %arg5[%swap3A, %swap3A_25], %max3A_24 {strides = array<i32>} : memref<10112x128xf32, #tpu.memory_space<vmem>>, vector<10000x128xf32>,
    %broadcast_in_dim3A = arith.constant 0.000000e+00 : f32
    %broadcast_in_dim3A_27 = vector.broadcast %broadcast_in_dim3A : f32 to vector<112x128xf32>
    %swap3A_28 = arith.constant 10000 : index
    %swap3A_29 = arith.constant 0 : index
    %swap3A_30 = vector.load %arg5[%swap3A_28, %swap3A_29] : memref<10112x128xf32, #tpu.memory_space<vmem>>, vector<112x128xf32>
    tpu.vector_store %arg5[%swap3A_28, %swap3A_29], %broadcast_in_dim3A_27 {strides = array<i32>} : memref<10112x128xf32, #tpu.memory_space<vmem>>, vector<112x128xf32>,
    return
  }
}

module attributes {stable_mosaic.version = 14 : i64} {
  func.func @_conv_body(%arg0: memref<10112x128xf32, #tpu.memory_space<vmem>>, %arg1: memref<2x10112x128xf32, #tpu.memory_space<vmem>>, %arg2: memref<128x128xf32, #tpu.memory_space<vmem>>, %arg3: memref<1x128xf32, #tpu.memory_space<vmem>>, %arg4: memref<128x128xf32, #tpu.memory_space<vmem>>, %arg5: memref<10112x128xf32, #tpu.memory_space<vmem>>) attributes {dimension_semantics = [], scalar_prefetch = 0 : i64, scratch_operands = 0 : i64, tpu.core_type = #tpu.core_type<tc>} {
    %get3A = arith.constant 0 : index
    %get3A_0 = arith.constant 0 : index
    %get3A_1 = arith.constant 0 : index
    %get3A_2 = vector.load %arg1[%get3A, %get3A_0, %get3A_1] : memref<2x10112x128xf32, #tpu.memory_space<vmem>>, vector<1x10000x128xf32>
    %get3A_3 = vector.shape_cast %get3A_2 : vector<1x10000x128xf32> to vector<10000x128xf32>
    %get3A_4 = arith.constant 1 : index
    %get3A_5 = arith.constant 0 : index
    %get3A_6 = arith.constant 0 : index
    %get3A_7 = vector.load %arg1[%get3A_4, %get3A_5, %get3A_6] : memref<2x10112x128xf32, #tpu.memory_space<vmem>>, vector<1x10000x128xf32>
    %get3A_8 = vector.shape_cast %get3A_7 : vector<1x10000x128xf32> to vector<10000x128xf32>
    %add3A = arith.addf %get3A_3, %get3A_8 : vector<10000x128xf32>
    %get3A_9 = arith.constant 0 : index
    %get3A_10 = arith.constant 0 : index
    %get3A_11 = vector.load %arg2[%get3A_9, %get3A_10] : memref<128x128xf32, #tpu.memory_space<vmem>>, vector<128x128xf32>
    %dot_general3A = arith.constant dense<0.000000e+00> : vector<10000x128xf32>
    %dot_general3A_12 = tpu.matmul %add3A, %get3A_11, %dot_general3A {dimension_numbers = #tpu.dot_dimension_numbers<[1], [0], [0], [1], [0, 0, 1, 1], [], []>, transpose_lhs_hint = false} : vector<10000x128xf32>, vector<128x128xf32>, vector<10000x128xf32> -> vector<10000x128xf32>
    %get3A_13 = arith.constant 0 : index
    %get3A_14 = arith.constant 0 : index
    %get3A_15 = vector.load %arg3[%get3A_13, %get3A_14] : memref<1x128xf32, #tpu.memory_space<vmem>>, vector<1x128xf32>
    %add3A_16 = vector.broadcast %get3A_15 : vector<1x128xf32> to vector<10000x128xf32>
    %add3A_17 = arith.addf %dot_general3A_12, %add3A_16 : vector<10000x128xf32>
    %get3A_18 = arith.constant 0 : index
    %get3A_19 = arith.constant 0 : index
    %get3A_20 = vector.load %arg0[%get3A_18, %get3A_19] : memref<10112x128xf32, #tpu.memory_space<vmem>>, vector<10000x128xf32>
    %get3A_21 = arith.constant 0 : index
    %get3A_22 = arith.constant 0 : index
    %get3A_23 = vector.load %arg4[%get3A_21, %get3A_22] : memref<128x128xf32, #tpu.memory_space<vmem>>, vector<128x128xf32>
    %dot_general3A_24 = arith.constant dense<0.000000e+00> : vector<10000x128xf32>
    %dot_general3A_25 = tpu.matmul %get3A_20, %get3A_23, %dot_general3A_24 {dimension_numbers = #tpu.dot_dimension_numbers<[1], [0], [0], [1], [0, 0, 1, 1], [], []>, transpose_lhs_hint = false} : vector<10000x128xf32>, vector<128x128xf32>, vector<10000x128xf32> -> vector<10000x128xf32>
    %add3A_26 = arith.addf %add3A_17, %dot_general3A_25 : vector<10000x128xf32>
    %get3A_27 = arith.constant 0 : index
    %get3A_28 = arith.constant 0 : index
    %get3A_29 = vector.load %arg0[%get3A_27, %get3A_28] : memref<10112x128xf32, #tpu.memory_space<vmem>>, vector<10000x128xf32>
    %max3A = arith.constant 0.000000e+00 : f32
    %max3A_30 = vector.broadcast %max3A : f32 to vector<10000x128xf32>
    %max3A_31 = arith.maximumf %add3A_26, %max3A_30 : vector<10000x128xf32>
    %add3A_32 = arith.addf %get3A_29, %max3A_31 : vector<10000x128xf32>
    %swap3A = arith.constant 0 : index
    %swap3A_33 = arith.constant 0 : index
    %swap3A_34 = vector.load %arg5[%swap3A, %swap3A_33] : memref<10112x128xf32, #tpu.memory_space<vmem>>, vector<10000x128xf32>
    tpu.vector_store %arg5[%swap3A, %swap3A_33], %add3A_32 {strides = array<i32>} : memref<10112x128xf32, #tpu.memory_space<vmem>>, vector<10000x128xf32>,
    %broadcast_in_dim3A = arith.constant 0.000000e+00 : f32
    %broadcast_in_dim3A_35 = vector.broadcast %broadcast_in_dim3A : f32 to vector<112x128xf32>
    %swap3A_36 = arith.constant 10000 : index
    %swap3A_37 = arith.constant 0 : index
    %swap3A_38 = vector.load %arg5[%swap3A_36, %swap3A_37] : memref<10112x128xf32, #tpu.memory_space<vmem>>, vector<112x128xf32>
    tpu.vector_store %arg5[%swap3A_36, %swap3A_37], %broadcast_in_dim3A_35 {strides = array<i32>} : memref<10112x128xf32, #tpu.memory_space<vmem>>, vector<112x128xf32>,
    return
  }
}

module attributes {stable_mosaic.version = 14 : i64} {
  func.func @_conv_out_body(%arg0: memref<10112x128xf32, #tpu.memory_space<vmem>>, %arg1: memref<2x10112x128xf32, #tpu.memory_space<vmem>>, %arg2: memref<128x128xf32, #tpu.memory_space<vmem>>, %arg3: memref<1x128xf32, #tpu.memory_space<vmem>>, %arg4: memref<128x128xf32, #tpu.memory_space<vmem>>, %arg5: memref<128x128xf32, #tpu.memory_space<vmem>>, %arg6: memref<1x128xf32, #tpu.memory_space<vmem>>, %arg7: memref<10000x128xf32, #tpu.memory_space<vmem>>) attributes {dimension_semantics = [], scalar_prefetch = 0 : i64, scratch_operands = 0 : i64, tpu.core_type = #tpu.core_type<tc>} {
    %get3A = arith.constant 0 : index
    %get3A_0 = arith.constant 0 : index
    %get3A_1 = arith.constant 0 : index
    %get3A_2 = vector.load %arg1[%get3A, %get3A_0, %get3A_1] : memref<2x10112x128xf32, #tpu.memory_space<vmem>>, vector<1x10000x128xf32>
    %get3A_3 = vector.shape_cast %get3A_2 : vector<1x10000x128xf32> to vector<10000x128xf32>
    %get3A_4 = arith.constant 1 : index
    %get3A_5 = arith.constant 0 : index
    %get3A_6 = arith.constant 0 : index
    %get3A_7 = vector.load %arg1[%get3A_4, %get3A_5, %get3A_6] : memref<2x10112x128xf32, #tpu.memory_space<vmem>>, vector<1x10000x128xf32>
    %get3A_8 = vector.shape_cast %get3A_7 : vector<1x10000x128xf32> to vector<10000x128xf32>
    %add3A = arith.addf %get3A_3, %get3A_8 : vector<10000x128xf32>
    %get3A_9 = arith.constant 0 : index
    %get3A_10 = arith.constant 0 : index
    %get3A_11 = vector.load %arg2[%get3A_9, %get3A_10] : memref<128x128xf32, #tpu.memory_space<vmem>>, vector<128x128xf32>
    %dot_general3A = arith.constant dense<0.000000e+00> : vector<10000x128xf32>
    %dot_general3A_12 = tpu.matmul %add3A, %get3A_11, %dot_general3A {dimension_numbers = #tpu.dot_dimension_numbers<[1], [0], [0], [1], [0, 0, 1, 1], [], []>, transpose_lhs_hint = false} : vector<10000x128xf32>, vector<128x128xf32>, vector<10000x128xf32> -> vector<10000x128xf32>
    %get3A_13 = arith.constant 0 : index
    %get3A_14 = arith.constant 0 : index
    %get3A_15 = vector.load %arg3[%get3A_13, %get3A_14] : memref<1x128xf32, #tpu.memory_space<vmem>>, vector<1x128xf32>
    %add3A_16 = vector.broadcast %get3A_15 : vector<1x128xf32> to vector<10000x128xf32>
    %add3A_17 = arith.addf %dot_general3A_12, %add3A_16 : vector<10000x128xf32>
    %get3A_18 = arith.constant 0 : index
    %get3A_19 = arith.constant 0 : index
    %get3A_20 = vector.load %arg0[%get3A_18, %get3A_19] : memref<10112x128xf32, #tpu.memory_space<vmem>>, vector<10000x128xf32>
    %get3A_21 = arith.constant 0 : index
    %get3A_22 = arith.constant 0 : index
    %get3A_23 = vector.load %arg4[%get3A_21, %get3A_22] : memref<128x128xf32, #tpu.memory_space<vmem>>, vector<128x128xf32>
    %dot_general3A_24 = arith.constant dense<0.000000e+00> : vector<10000x128xf32>
    %dot_general3A_25 = tpu.matmul %get3A_20, %get3A_23, %dot_general3A_24 {dimension_numbers = #tpu.dot_dimension_numbers<[1], [0], [0], [1], [0, 0, 1, 1], [], []>, transpose_lhs_hint = false} : vector<10000x128xf32>, vector<128x128xf32>, vector<10000x128xf32> -> vector<10000x128xf32>
    %add3A_26 = arith.addf %add3A_17, %dot_general3A_25 : vector<10000x128xf32>
    %get3A_27 = arith.constant 0 : index
    %get3A_28 = arith.constant 0 : index
    %get3A_29 = vector.load %arg0[%get3A_27, %get3A_28] : memref<10112x128xf32, #tpu.memory_space<vmem>>, vector<10000x128xf32>
    %max3A = arith.constant 0.000000e+00 : f32
    %max3A_30 = vector.broadcast %max3A : f32 to vector<10000x128xf32>
    %max3A_31 = arith.maximumf %add3A_26, %max3A_30 : vector<10000x128xf32>
    %add3A_32 = arith.addf %get3A_29, %max3A_31 : vector<10000x128xf32>
    %get3A_33 = arith.constant 0 : index
    %get3A_34 = arith.constant 0 : index
    %get3A_35 = vector.load %arg5[%get3A_33, %get3A_34] : memref<128x128xf32, #tpu.memory_space<vmem>>, vector<128x128xf32>
    %dot_general3A_36 = arith.constant dense<0.000000e+00> : vector<10000x128xf32>
    %dot_general3A_37 = tpu.matmul %add3A_32, %get3A_35, %dot_general3A_36 {dimension_numbers = #tpu.dot_dimension_numbers<[1], [0], [0], [1], [0, 0, 1, 1], [], []>, transpose_lhs_hint = false} : vector<10000x128xf32>, vector<128x128xf32>, vector<10000x128xf32> -> vector<10000x128xf32>
    %get3A_38 = arith.constant 0 : index
    %get3A_39 = arith.constant 0 : index
    %get3A_40 = vector.load %arg6[%get3A_38, %get3A_39] : memref<1x128xf32, #tpu.memory_space<vmem>>, vector<1x128xf32>
    %add3A_41 = vector.broadcast %get3A_40 : vector<1x128xf32> to vector<10000x128xf32>
    %add3A_42 = arith.addf %dot_general3A_37, %add3A_41 : vector<10000x128xf32>
    %swap3A = arith.constant 0 : index
    %swap3A_43 = arith.constant 0 : index
    %swap3A_44 = vector.load %arg7[%swap3A, %swap3A_43] : memref<10000x128xf32, #tpu.memory_space<vmem>>, vector<10000x128xf32>
    tpu.vector_store %arg7[%swap3A, %swap3A_43], %add3A_42 {strides = array<i32>} : memref<10000x128xf32, #tpu.memory_space<vmem>>, vector<10000x128xf32>,
    return
  }
}

</mosaic_0001>

<sc_bundles>
// kernel: kernel.12.cloned.1.call-start
scs
__scs_entry_jumppad:
0x0: {  	(pc) =	sbr.rel $0x88, $3  }
0x1: {  	(tag) =	ssettag $0x0;
	lr =	simm.s32 $0x1  }
0x2: {  	[smem:$0x3F96] =	sst lr;
	_ =	strace $0xD0000000  }
0x3: {  	_ = 	snop  }
0x4: {  	_ = 	snop  }
0x5: {  	_ = 	snop  }
0x6: {  	_ = 	snop  }
0x7: {  	_ = 	snop  }
__scs_overlays_trampoline_lowered:
0x8: {  	[smem:$0x3FA5] =	sst s0  }
0x9: {  	[smem:$0x3FA6] =	sst s1  }
0xa: {  	[smem:$0x3FA7] =	sst s2  }
0xb: {  	[smem:$0x3FA8] =	sst s3  }
0xc: {  	[smem:$0x3FA9] =	sst s4  }
0xd: {  	[smem:$0x3FAA] =	sst s5  }
0xe: {  	[smem:$0x3FAB] =	sst s6  }
0xf: {  	[smem:$0x3FAC] =	sst s7  }
0x10: {  	[smem:$0x3FAD] =	sst s8  }
0x11: {  	[smem:$0x3FAE] =	sst s9;
	s0 =	simm.s32 @!p0 $0x0  }
0x12: {  	s1 =	sld [smem:$0x3F94];
	s0 =	simm.s32 @p0 $0x1  }
0x13: {  	[smem:$0x3FAF] =	sst s0;
	s0 =	simm.s32 @!p1 $0x0  }
0x14: {  	s2 =	sld [smem:$0x3F93];
	s0 =	simm.s32 @p1 $0x1  }
0x15: {  	[smem:$0x3FB0] =	sst s0;
	s0 =	simm.s32 @!p2 $0x0  }
0x16: {  	s3 =	sld [smem:$0x3FDB];
	s0 =	simm.s32 @p2 $0x1  }
0x17: {  	s4 =	simm.s32 $0x1BF5;
	[smem:$0x3FB2] =	sst s0  }
0x18: {  	s0 =	sld [smem:$0x3F95];
	_ =	swait.ge [sflag:s4], $0x0  }
0x19: {  	s7 =	sld [smem:$0x3F96]  }
0x1a: {  	s8 =	sadd.s32 $0xFFFFE003, lr  }
0x1b: {  	s9 =	sadd.s32 $0xFFFFFEF7, lr;
	s5 =	simm.s32 $0xFFFFFFFF;
	p2 =	slt.u32 s8, $0xFFFFF086  }
0x1c: {  	p1 =	slt.u32 s9, $0xF7A;
	s5 =	simm.s32 @!p2 $0x0  }
0x1d: {  	s5 =	simm.s32 @p1 $0x1;
	p0 =	seq.s32 s7, s2  }
0x1e: {  	s7 =	smul.u32 @!p0 $0xF7A, s2;
	p2 =	seq.s32 @!p0 s5, $0x0  }
0x1f: {  	s9 =	smul.u32 $0xF7A, s1;
	s8 =	simm.s32 @!p0 $0x1BF5;
	p2 =	por !p2, p0  }
0x20: {  	[sflag:s8] =	ssyncset.s32 @!p0 $0xFFFFF086;
	s6 =	sadd.s32 @!p0 s3, s7;
	s7 =	simm.s32 @!p0 $0x108  }
0x21: {  	s3 =	sadd.s32 s3, s9;
	s6 =	sadd.s32 @!p0 $0x88, s6;
	s7 =	simm.s32 @p2 $0x1082  }
0x22: {  	[simem:s7], [sflag:s8] =	dma.local @!p0 [hbm:s6], $0xF7A  }
0x23: {  	s9 =	sor.u32 $0xD0000000, s2;
	s6 =	simm.s32 $0x108;
	_ =	swait.ge @!p0 [sflag:s8], $0x0  }
0x24: {  	s3 =	sadd.s32 $0x88, s3;
	s6 =	simm.s32 @!p1 $0x1082;
	[sflag:s4] =	ssyncset.s32 $0xFFFFF086  }
0x25: {  	[simem:s6], [sflag:s4] =	dma.local [hbm:s3], $0xF7A  }
0x26: {  	[smem:$0x3F96] =	sst s1;
	(tag) =	ssettag s2;
	_ =	strace s9  }
0x27: {  	s1 =	sld [smem:$0x3FA6]  }
0x28: {  	s2 =	sld [smem:$0x3FA7]  }
0x29: {  	s4 =	sld [smem:$0x3FA9]  }
0x2a: {  	p0 =	seq.s32 s5, $0x0;
	s5 =	sld [smem:$0x3FAA]  }
0x2b: {  	s6 =	sld [smem:$0x3FAB]  }
0x2c: {  	s7 =	sld [smem:$0x3FAC]  }
0x2d: {  	s3 =	simm.s32 $0x108;
	s8 =	sld [smem:$0x3FAD]  }
0x2e: {  	s3 =	simm.s32 @!p0 $0x1082;
	s9 =	sld [smem:$0x3FAE]  }
0x2f: {  	lr =	sadd.s32 s0, s3;
	s0 =	sld [smem:$0x3FA5]  }
0x30: {  	s3 =	sld [smem:$0x3FA8]  }
0x31: {  	[smem:$0x3FB1] =	sst s10  }
0x32: {  	s10 =	sld [smem:$0x3FAF];
	_ =	sdelay $0x3  }
0x33: {  	p0 =	seq.s32 s10, $0x1;
	s10 =	sld [smem:$0x3FB1];
	_ =	sdelay $0x3  }
0x34: {  	[smem:$0x3FB1] =	sst s10  }
0x35: {  	s10 =	sld [smem:$0x3FB0];
	_ =	sdelay $0x3  }
0x36: {  	p1 =	seq.s32 s10, $0x1;
	s10 =	sld [smem:$0x3FB1];
	_ =	sdelay $0x3  }
0x37: {  	[smem:$0x3FB1] =	sst s10  }
0x38: {  	s10 =	sld [smem:$0x3FB2]  }
0x39: {  	_ = 	snop;
	(pc) =	sbr.ind lr, $3  }
0x3a: {  	_ = 	snop  }
0x3b: {  	_ = 	snop  }
0x3c: {  	p2 =	seq.s32 s10, $0x1;
	s10 =	sld [smem:$0x3FB1]  }
0x3d: {  	_ =	shalt  }
0x3e: {  	_ =	shalt  }
0x3f: {  	_ =	shalt  }
0x40: {  	_ =	shalt  }
0x41: {  	_ =	shalt  }
0x42: {  	_ =	shalt  }
0x43: {  	_ =	shalt  }
0x44: {  	_ =	shalt  }
0x45: {  	_ =	shalt  }
0x46: {  	_ =	shalt  }
0x47: {  	_ =	shalt  }
0x48: {  	_ =	shalt  }
0x49: {  	_ =	shalt  }
0x4a: {  	_ =	shalt  }
0x4b: {  	_ =	shalt  }
0x4c: {  	_ =	shalt  }
0x4d: {  	_ =	shalt  }
0x4e: {  	_ =	shalt  }
0x4f: {  	_ =	shalt  }
0x50: {  	_ =	shalt  }
0x51: {  	_ =	shalt  }
0x52: {  	_ =	shalt  }
0x53: {  	_ =	shalt  }
0x54: {  	_ =	shalt  }
0x55: {  	_ =	shalt  }
0x56: {  	_ =	shalt  }
0x57: {  	_ =	shalt  }
0x58: {  	_ =	shalt  }
0x59: {  	_ =	shalt  }
0x5a: {  	_ =	shalt  }
0x5b: {  	_ =	shalt  }
0x5c: {  	_ =	shalt  }
0x5d: {  	_ =	shalt  }
0x5e: {  	_ =	shalt  }
0x5f: {  	_ =	shalt  }
0x60: {  	_ =	shalt  }
0x61: {  	_ =	shalt  }
0x62: {  	_ =	shalt  }
0x63: {  	_ =	shalt  }
0x64: {  	_ =	shalt  }
0x65: {  	_ =	shalt  }
0x66: {  	_ =	shalt  }
0x67: {  	_ =	shalt  }
0x68: {  	_ =	shalt  }
0x69: {  	_ =	shalt  }
0x6a: {  	_ =	shalt  }
0x6b: {  	_ =	shalt  }
0x6c: {  	_ =	shalt  }
0x6d: {  	_ =	shalt  }
0x6e: {  	_ =	shalt  }
0x6f: {  	_ =	shalt  }
0x70: {  	_ =	shalt  }
0x71: {  	_ =	shalt  }
0x72: {  	_ =	shalt  }
0x73: {  	_ =	shalt  }
0x74: {  	_ =	shalt  }
0x75: {  	_ =	shalt  }
0x76: {  	_ =	shalt  }
0x77: {  	_ =	shalt  }
0x78: {  	_ =	shalt  }
0x79: {  	_ =	shalt  }
0x7a: {  	_ =	shalt  }
0x7b: {  	_ =	shalt  }
0x7c: {  	_ =	shalt  }
0x7d: {  	_ =	shalt  }
0x7e: {  	_ =	shalt  }
0x7f: {  	_ =	shalt  }
0x80: {  	_ =	shalt  }
0x81: {  	_ =	shalt  }
0x82: {  	_ =	shalt  }
0x83: {  	_ =	shalt  }
0x84: {  	_ =	shalt  }
0x85: {  	_ =	shalt  }
0x86: {  	_ =	shalt  }
0x87: {  	_ =	shalt  }
.Lfunc_end0:
.L_simem_size_0:
called_computation.1_lowered:
.L_overlay_start_0:
0x88: {  	s2 =	sld [smem:$0x3FD9]  }
0x89: {  	s3 =	sld [smem:$0x3FFE];
	_ =	sdelay $0x1  }
0x8a: {  	s1 =	srdreg.scid  }
0x8b: {  	s0 =	sand.u32 $0x1, s1  }
0x8c: {  	s17 =	sshll.u32 s0, $0xA;
	s2 =	sadd.s32 s3, s2  }
0x8d: {  	s2 =	sadd.s32 s2, s17  }
0x8e: {  	[smem:$0x3FBD] =	sst s2  }
0x8f: {  	_ = 	snop  }
0x90: {  	s2 =	sld [smem:$0x3FD0];
	(tm) =	ssettm $0x1  }
0x91: {  	s18 =	sld [smem:$0x3FFB];
	_ =	sdelay $0x3  }
0x92: {  	_ =	strace s18  }
0x93: {  	s3 =	sld [smem:$0x3FFC];
	_ =	sdelay $0x3  }
0x94: {  	_ =	strace s3  }
0x95: {  	s3 =	sld [smem:$0x3FFD];
	_ =	sdelay $0x3  }
0x96: {  	_ =	strace s3  }
0x97: {  	_ =	strace $0x8FFFFFFF  }
0x98: {  	s19 =	sld [smem:$0x3FDB];
	_ =	sdelay $0x1  }
0x99: {  	s4 =	simm.s32 $_scs_section_size  }
0x9a: {  	s5 =	simm.s32 $_size__tile_overlayer_lowered;
	s6 =	simm.s32 $_tile_overlayer_lowered  }
0x9b: {  	s22 =	simm.s32 $0x1BFF;
	s21 =	sshll.u32 s6, $0x1;
	s3 =	sadd.s32 s4, s19  }
0x9c: {  	s7 =	simm.s32 $0x0;
	s20 =	sshll.u32 s5, $0x1;
	s5 =	sadd.s32 s21, s3  }
0x9d: {  	[timem:s7], [sflag:s22] =	dma.local [hbm:s5], s20  }
0x9e: {  	_ =	swait.ge [sflag:s22], s20  }
0x9f: {  	s4 =	ssub.s32 $0x0, s20;
	[sflag:s22] =	ssyncset.done $0x0  }
0xa0: {  	[sflag:s22] =	ssyncadd.s32 s4;
	_ =	sdelay $0x1  }
0xa1: {  	s23 =	simm.s32 $0x1B8B  }
0xa2: {  	_ =	swait.ge [sflag:s23], $0x1  }
0xa3: {  	[sflag:s23] =	ssyncset.done $0x0  }
0xa4: {  	s25 =	simm.s32 $0x1B8E;
	s24 =	sld [smem:$0x3FFE];
	[sflag:s23] =	ssyncadd.s32 $0xFFFFFFFF  }
0xa5: {  	s26 =	simm.s32 $execute0_lowered;
	[smem:$0x3FD2] =	sst s25  }
0xa6: {  	s5 =	sshll.u32 s26, $0x1;
	_ =	strace $0x80000049;
	[dreg:$0x1] =	wrdreg $0xFFFFFFFF  }
0xa7: {  	s28 =	simm.s32 $_size_execute0_lowered;
	s3 =	sadd.s32 s3, s5;
	[dreg:$0x0] =	wrdreg $0x0  }
0xa8: {  	s5 =	sshll.u32 s28, $0x1;
	[dreg:$0x2] =	wrdreg s3  }
0xa9: {  	[dreg:$0x3] =	wrdreg s5  }
0xaa: {  	[dreg:$0x4] =	wrdreg $0xC0  }
0xab: {  	_ =	task [dreg:s7], $0x5FFFF  }
0xac: {  	[dreg:$0x1] =	wrdreg $0xFFFFFFFF  }
0xad: {  	[dreg:$0x0] =	wrdreg $0x60  }
0xae: {  	[dreg:$0x2] =	wrdreg s24  }
0xaf: {  	[dreg:$0x3] =	wrdreg s2  }
0xb0: {  	[dreg:$0x4] =	wrdreg $0xC4000  }
0xb1: {  	[dreg:$0x5] =	wrdreg $0x9  }
0xb2: {  	_ =	task.clear_ibuf [dreg:s7], $0x6FFFF;
	_ =	strace $0x90000049  }
0xb3: {  	s29 =	simm.s32 $0x9;
	_ =	strace $0x8000004B  }
0xb4: {  	_ =	swait.ge [sflag:s29], $0x1  }
0xb5: {  	[sflag:s29] =	ssyncadd.s32 $0xFFFFFFFF  }
0xb6: {  	_ =	strace $0x9000004B  }
0xb7: {  	_ =	sfence  }
0xb8: {  	s30 =	sld [smem:$0x0];
	_ =	sdelay $0x2  }
0xb9: {  	s31 =	sshll.u32 s1, $0xD;
	s1 =	sshrl.u32 s1, $0x2  }
0xba: {  	s3 =	sand.u32 $0x4000, s31;
	s1 =	sadd.s32 s1, s30  }
0xbb: {  	s0 =	sor.u32 s3, s0;
	s1 =	sshll.u32 s1, $0x11  }
0xbc: {  	s0 =	sor.u32 s1, s0  }
0xbd: {  	s0 =	sadd.s32 $0x8F2B, s0  }
0xbe: {  	[sflag:s0] =	ssyncadd.remote.s32 $0x1  }
0xbf: {  	_ =	sfence.sel $0xFFFF  }
0xc0: {  	[dreg:$0x0] =	wrdreg $0xFFFFFFFF;
	(pc) =	sbr.abs _section_cstart, $3  }
0xc1: {  	[dreg:$0x1] =	wrdreg $0xFFFFFFFF  }
0xc2: {  	_ =	task.clear_ibuf [dreg:s7], $0x2FFFF;
	_ =	strace $0x9FFFFFFF  }
0xc3: {  	(tm) =	ssettm $0x7FFFFFFF  }
tec
execute0_lowered:
.L_overlay_start_1:
0x0: {  	(tag) =	ssettag $0x1  }
0x1: {  	s5 =	rddreg [dreg:$0x0]  }
0x2: {  	s1 =	srdreg.scid;
	s8 =	rddreg [dreg:$0x1]  }
0x3: {  	s0 =	stileid.u32;
	s2 =	rddreg [dreg:$0x2];
	s3 =	simm.s32 $0x0  }
0x4: {  	s15 =	simm.s32 $0x5C00;
	s16 =	simm.s32 $0x1;
	s17 =	simm.s32 $0x9000  }
0x5: {  	s18 =	simm.s32 $0x2;
	s19 =	simm.s32 $0x2880;
	s20 =	simm.s32 $0x3  }
0x6: {  	s21 =	simm.s32 $0xD0;
	s22 =	simm.s32 $0x4;
	s23 =	simm.s32 $0x5800  }
0x7: {  	s24 =	simm.s32 $0x5880;
	s25 =	simm.s32 $0x0;
	s6 =	sand.u32 $0x1, s1  }
0x8: {  	s28 =	sshll.u32 s0, $0x1;
	s1 =	rddreg [dreg:$0x3];
	s10 =	smul.u32 $0x13C00, s0  }
0x9: {  	[smem:$0x7FF] =	sst s3;
	s4 =	sadd.s32 $0xD600, s5;
	s29 =	smul.u32 $0x4F000, s0  }
0xa: {  	s31 =	sshll.u32 s0, $0x6;
	s7 =	sor.u32 s6, s28;
	s11 =	smul.u32 $0x13C000, s6  }
0xb: {  	_ =	strace $0x8000004A;
	s6 =	ssub.s32 $0x2, s6;
	s9 =	smul.u32 $0x4FA, s7  }
0xc: {  	s12 =	sshrl.u32 s10, $0x3;
	s13 =	sshrl.u32 s6, $0x1;
	s30 =	sshrl.u32 s29, $0x2  }
0xd: {  	s14 =	smul.u32 $0x680, s7;
	s10 =	sadd.s32 s10, s11;
	s12 =	sadd.s32 s12, s5  }
0xe: {  	s13 =	ssub.s32 s6, s13;
	s11 =	sadd.s32 s30, s2;
	s6 =	sor.u32 $0x1C05, s31  }
0xf: {  	s9 =	sadd.s32 s9, s5;
	s10 =	sshrl.u32 s10, $0x3;
	s8 =	sadd.s32 s8, s14  }
0x10: {  	s11 =	sshrl.u32 s11, $0x3;
	s14 =	simm.s32 $0x68;
	s10 =	sadd.s32 s10, s5  }
0x11: {  	s5 =	sadd.s32 $0x34E00, s12;
	s7 =	sadd.s32 $0x3600, s9;
	s12 =	simm.s32 $0x5  }
0x12: {  	s9 =	sadd.s32 $0x5C600, s10;
	s10 =	smax.u32 s13, $0x1;
	s13 =	simm.s32 $0x2800  }
.LBB2_1:
0x13: {  	[spmem:s11], [sflag:s6] =	dma.local [hbm:s5], $0x2780  }
0x14: {  	_ =	swait.ge [sflag:s12], $0x2780  }
0x15: {  	[sflag:s12] =	ssyncset.done $0x0  }
0x16: {  	[sflag:s12] =	ssyncadd.s32 $0xFFFFD880  }
0x17: {  	[tilespmem:s3], [sflag:$0x5] =	stream.linear.gather [hbm4b:s7+s3], $0x27D0, $0x38;
	v63 =	vld [tilespmem:$0x0]  }
0x18: {  	_ =	swait.ge [sflag:s12], $0x27D0  }
0x19: {  	[sflag:s12] =	ssyncset.done $0x0  }
0x1a: {  	[sflag:s12] =	ssyncadd.s32 $0xFFFFD830  }
0x1b: {  	[tilespmem:s13], [sflag:$0x5] =	stream.linear.gather [hbm4b:s8+s3], $0x3100, $0x38;
	v63 =	vld [tilespmem:$0x0]  }
0x1c: {  	_ =	swait.ge [sflag:s12], $0x3100  }
0x1d: {  	[sflag:s12] =	ssyncset.done $0x0  }
0x1e: {  	[sflag:s12] =	ssyncadd.s32 $0xFFFFCF00  }
0x1f: {  	[bflag:$0x0] =	sbarrier.arrive $0xFFFF  }
0x20: {  	[tilespmem:s15], [sflag:$0x1] =	stream.indirect.gather [hbm4b:s4+s14], $0x80, s3, s14, $0xb8;
	v63 =	vld [tilespmem:$0x0]  }
0x21: {  	_ =	swait.ge [sflag:s16], $0x3400  }
0x22: {  	[sflag:s16] =	ssyncset.done $0x0  }
0x23: {  	[sflag:s16] =	ssyncadd.s32 $0xFFFFCC00  }
0x24: {  	[spmem:s2] =	stream.indirect.scatter.add.f32 [tilespmem:s15], [sflag:$0x3], $0x80, s13, s14, $0xb8;
	v63 =	vld [tilespmem:$0x0]  }
0x25: {  	_ = 	snop  }
0x26: {  	[tilespmem:s17], [sflag:$0x2] =	stream.indirect.gather [hbm4b:s4+s14], $0x80, s14, s14, $0xb8;
	v63 =	vld [tilespmem:$0x0]  }
0x27: {  	_ =	swait.ge [sflag:s18], $0x3400  }
0x28: {  	[sflag:s18] =	ssyncset.done $0x0  }
0x29: {  	[sflag:s18] =	ssyncadd.s32 $0xFFFFCC00  }
0x2a: {  	[spmem:s2] =	stream.indirect.scatter.add.f32 [tilespmem:s17], [sflag:$0x4], $0x80, s19, s14, $0xb8;
	v63 =	vld [tilespmem:$0x0]  }
0x2b: {  	_ =	swait.ge [sflag:s20], $0x3400  }
0x2c: {  	[sflag:s20] =	ssyncset.done $0x0  }
0x2d: {  	[sflag:s20] =	ssyncadd.s32 $0xFFFFCC00  }
0x2e: {  	[tilespmem:s15], [sflag:$0x1] =	stream.indirect.gather [hbm4b:s4+s14], $0x80, s21, s14, $0xb8;
	v63 =	vld [tilespmem:$0x0]  }
0x2f: {  	_ =	swait.ge [sflag:s16], $0x3400  }
0x30: {  	[sflag:s16] =	ssyncset.done $0x0  }
0x31: {  	s26 =	simm.s32 $0x2900;
	[sflag:s16] =	ssyncadd.s32 $0xFFFFCC00  }
0x32: {  	[spmem:s2] =	stream.indirect.scatter.add.f32 [tilespmem:s15], [sflag:$0x3], $0x80, s26, s14, $0xb8;
	v63 =	vld [tilespmem:$0x0]  }
0x33: {  	_ =	swait.ge [sflag:s22], $0x3400  }
0x34: {  	[sflag:s22] =	ssyncset.done $0x0  }
0x35: {  	s30 =	simm.s32 $0x138;
	[sflag:s22] =	ssyncadd.s32 $0xFFFFCC00  }
0x36: {  	[tilespmem:s17], [sflag:$0x2] =	stream.indirect.gather [hbm4b:s4+s14], $0x80, s30, s14, $0xb8;
	v63 =	vld [tilespmem:$0x0]  }
0x37: {  	_ =	swait.ge [sflag:s18], $0x3400  }
0x38: {  	[sflag:s18] =	ssyncset.done $0x0  }
0x39: {  	s31 =	simm.s32 $0x2980;
	[sflag:s18] =	ssyncadd.s32 $0xFFFFCC00  }
0x3a: {  	[spmem:s2] =	stream.indirect.scatter.add.f32 [tilespmem:s17], [sflag:$0x4], $0x80, s31, s14, $0xb8;
	v63 =	vld [tilespmem:$0x0]  }
0x3b: {  	_ =	swait.ge [sflag:s20], $0x3400  }
0x3c: {  	s28 =	simm.s32 $0xFFFF4800;
	[sflag:s20] =	ssyncset.done $0x0  }
0x3d: {  	s29 =	simm.s32 $0x1A0;
	s26 =	simm.s32 $0x208;
	[sflag:s20] =	ssyncadd.s32 $0xFFFFCC00  }
.LBB2_2:
0x3e: {  	[tilespmem:s15], [sflag:$0x1] =	stream.indirect.gather [hbm4b:s4+s14], $0x80, s29, s14, $0xb8;
	v63 =	vld [tilespmem:$0x0]  }
0x3f: {  	s29 =	smov.u32 s28  }
0x40: {  	p0 =	sne.s32 s28, $0xFFFFFC00;
	s28 =	sadd.s32 $0x400, s28;
	_ =	swait.ge [sflag:s16], $0x3400  }
0x41: {  	s29 =	sshra.s32 s29, $0x2;
	[sflag:s16] =	ssyncset.done $0x0  }
0x42: {  	s30 =	sadd.s32 $0x5800, s29;
	[sflag:s16] =	ssyncadd.s32 $0xFFFFCC00  }
0x43: {  	[spmem:s2] =	stream.indirect.scatter.add.f32 [tilespmem:s15], [sflag:$0x3], $0x80, s30, s14, $0xb8;
	v63 =	vld [tilespmem:$0x0]  }
0x44: {  	_ =	swait.ge [sflag:s22], $0x3400  }
0x45: {  	[sflag:s22] =	ssyncset.done $0x0  }
0x46: {  	[sflag:s22] =	ssyncadd.s32 $0xFFFFCC00  }
0x47: {  	[tilespmem:s17], [sflag:$0x2] =	stream.indirect.gather [hbm4b:s4+s14], $0x80, s26, s14, $0xb8;
	v63 =	vld [tilespmem:$0x0]  }
0x48: {  	_ =	swait.ge [sflag:s18], $0x3400  }
0x49: {  	[sflag:s18] =	ssyncset.done $0x0  }
.Ltmp0:
0x4a: {  	s29 =	sadd.s32 $0x5880, s29;
	[sflag:s18] =	ssyncadd.s32 $0xFFFFCC00;
	(pc) =	sbr.rel @p0 .LBB2_2-.Ltmp0, $4  }
0x4b: {  	[spmem:s2] =	stream.indirect.scatter.add.f32 [tilespmem:s17], [sflag:$0x4], $0x80, s29, s14, $0xb8;
	v63 =	vld [tilespmem:$0x0]  }
0x4c: {  	_ =	swait.ge [sflag:s20], $0x3400  }
0x4d: {  	[sflag:s20] =	ssyncset.done $0x0  }
0x4e: {  	s29 =	sadd.s32 $0x68, s26;
	s26 =	sadd.s32 $0xD0, s26;
	[sflag:s20] =	ssyncadd.s32 $0xFFFFCC00  }
0x4f: {  	[tilespmem:s15], [sflag:$0x1] =	stream.indirect.gather [hbm4b:s4+s14], $0x80, s29, s14, $0xb8;
	v63 =	vld [tilespmem:$0x0]  }
0x50: {  	_ =	swait.ge [sflag:s16], $0x3400  }
0x51: {  	[sflag:s16] =	ssyncset.done $0x0  }
0x52: {  	[sflag:s16] =	ssyncadd.s32 $0xFFFFCC00  }
0x53: {  	[spmem:s2] =	stream.indirect.scatter.add.f32 [tilespmem:s15], [sflag:$0x3], $0x80, s23, s14, $0xb8;
	v63 =	vld [tilespmem:$0x0]  }
0x54: {  	_ =	swait.ge [sflag:s22], $0x3400  }
0x55: {  	[sflag:s22] =	ssyncset.done $0x0  }
0x56: {  	[sflag:s22] =	ssyncadd.s32 $0xFFFFCC00  }
0x57: {  	[tilespmem:s17], [sflag:$0x2] =	stream.indirect.gather [hbm4b:s4+s14], $0x80, s26, s14, $0xb8;
	v63 =	vld [tilespmem:$0x0]  }
0x58: {  	_ =	swait.ge [sflag:s18], $0x3400  }
0x59: {  	[sflag:s18] =	ssyncset.done $0x0  }
0x5a: {  	[sflag:s18] =	ssyncadd.s32 $0xFFFFCC00  }
0x5b: {  	[spmem:s2] =	stream.indirect.scatter.add.f32 [tilespmem:s17], [sflag:$0x4], $0x80, s24, s14, $0xb8;
	v63 =	vld [tilespmem:$0x0]  }
0x5c: {  	_ =	swait.ge [sflag:s20], $0x3400  }
0x5d: {  	[sflag:s20] =	ssyncset.done $0x0  }
0x5e: {  	[sflag:s20] =	ssyncadd.s32 $0xFFFFCC00  }
0x5f: {  	_ =	swait.ge [sflag:s22], $0x3400  }
0x60: {  	s25 =	sadd.s32 $0x1, s25;
	[sflag:s22] =	ssyncset.done $0x0  }
0x61: {  	p0 =	sne.s32 s25, s10;
	[sflag:s22] =	ssyncadd.s32 $0xFFFFCC00  }
.Ltmp1:
0x62: {  	[bflag:$0x0] =	sbarrier.arrive $0xFFFF;
	(pc) =	sbr.rel @p0 .LBB2_1-.Ltmp1, $4  }
0x63: {  	[hbm:s9], [sflag:s6] =	dma.local [spmem:s11], $0x2780  }
0x64: {  	_ =	swait.ge [sflag:s12], $0x2780  }
0x65: {  	[sflag:s12] =	ssyncset.done $0x0  }
0x66: {  	[sflag:s12] =	ssyncadd.s32 $0xFFFFD880  }
0x67: {  	_ =	sfence.sel $0x180000  }
0x68: {  	[bflag:$0x0] =	sbarrier.arrive $0xFFFF  }
0x69: {  	p0 =	sne.s32 s0, $0x0;
	_ =	strace $0x9000004A  }
0x6a: {  	s0 =	sadd.s32 @!p0 $0x100000, s1;
	[bflag:$0x2] =	sbarrier.arrive $0xFFFF  }
0x6b: {  	[sflag:s0] =	ssyncadd.tile.s32 @!p0 $0x1;
	_ =	shalt  }
.Lfunc_end2:
_tile_overlayer_lowered:
.L_overlay_start_2:
0x6c: {  	(tag) =	ssettag $0x2  }
0x6d: {  	s0 =	rddreg [dreg:$0x0];
	s2 =	stileid.u32  }
0x6e: {  	s1 =	rddreg [dreg:$0x1];
	p0 =	sne.s32 s2, $0x0  }
0x6f: {  	s3 =	rddreg [dreg:$0x2];
	[bflag:$0x3] =	sbarrier.arrive $0xFFFF;
	s2 =	simm.s32 @!p0 $0x1C05  }
0x70: {  	[timem:s3], [sflag:s2] =	dma.local @!p0 [hbm:s0], s1  }
0x71: {  	s0 =	simm.s32 @!p0 $0x5  }
0x72: {  	_ =	swait.ge @!p0 [sflag:s0], s1  }
0x73: {  	s1 =	ssub.s32 @!p0 $0x0, s1;
	[sflag:s0] =	ssyncset.done @!p0 $0x0  }
0x74: {  	[sflag:s0] =	ssyncadd.s32 @!p0 s1  }
0x75: {  	[bflag:$0x3] =	sbarrier.arrive $0xFFFF  }
0x76: {  	_ =	shalt  }

// kernel: kernel.15.cloned.1.call-start
scs
__scs_entry_jumppad:
0x0: {  	(pc) =	sbr.rel $0x88, $3  }
0x1: {  	(tag) =	ssettag $0x0;
	lr =	simm.s32 $0x1  }
0x2: {  	[smem:$0x3F96] =	sst lr;
	_ =	strace $0xD0000000  }
0x3: {  	_ = 	snop  }
0x4: {  	_ = 	snop  }
0x5: {  	_ = 	snop  }
0x6: {  	_ = 	snop  }
0x7: {  	_ = 	snop  }
__scs_overlays_trampoline_lowered:
0x8: {  	[smem:$0x3FA5] =	sst s0  }
0x9: {  	[smem:$0x3FA6] =	sst s1  }
0xa: {  	[smem:$0x3FA7] =	sst s2  }
0xb: {  	[smem:$0x3FA8] =	sst s3  }
0xc: {  	[smem:$0x3FA9] =	sst s4  }
0xd: {  	[smem:$0x3FAA] =	sst s5  }
0xe: {  	[smem:$0x3FAB] =	sst s6  }
0xf: {  	[smem:$0x3FAC] =	sst s7  }
0x10: {  	[smem:$0x3FAD] =	sst s8  }
0x11: {  	[smem:$0x3FAE] =	sst s9;
	s0 =	simm.s32 @!p0 $0x0  }
0x12: {  	s1 =	sld [smem:$0x3F94];
	s0 =	simm.s32 @p0 $0x1  }
0x13: {  	[smem:$0x3FAF] =	sst s0;
	s0 =	simm.s32 @!p1 $0x0  }
0x14: {  	s2 =	sld [smem:$0x3F93];
	s0 =	simm.s32 @p1 $0x1  }
0x15: {  	[smem:$0x3FB0] =	sst s0;
	s0 =	simm.s32 @!p2 $0x0  }
0x16: {  	s3 =	sld [smem:$0x3FDB];
	s0 =	simm.s32 @p2 $0x1  }
0x17: {  	s4 =	simm.s32 $0x1BF5;
	[smem:$0x3FB2] =	sst s0  }
0x18: {  	s0 =	sld [smem:$0x3F95];
	_ =	swait.ge [sflag:s4], $0x0  }
0x19: {  	s7 =	sld [smem:$0x3F96]  }
0x1a: {  	s8 =	sadd.s32 $0xFFFFE003, lr  }
0x1b: {  	s9 =	sadd.s32 $0xFFFFFEF7, lr;
	s5 =	simm.s32 $0xFFFFFFFF;
	p2 =	slt.u32 s8, $0xFFFFF086  }
0x1c: {  	p1 =	slt.u32 s9, $0xF7A;
	s5 =	simm.s32 @!p2 $0x0  }
0x1d: {  	s5 =	simm.s32 @p1 $0x1;
	p0 =	seq.s32 s7, s2  }
0x1e: {  	s7 =	smul.u32 @!p0 $0xF7A, s2;
	p2 =	seq.s32 @!p0 s5, $0x0  }
0x1f: {  	s9 =	smul.u32 $0xF7A, s1;
	s8 =	simm.s32 @!p0 $0x1BF5;
	p2 =	por !p2, p0  }
0x20: {  	[sflag:s8] =	ssyncset.s32 @!p0 $0xFFFFF086;
	s6 =	sadd.s32 @!p0 s3, s7;
	s7 =	simm.s32 @!p0 $0x108  }
0x21: {  	s3 =	sadd.s32 s3, s9;
	s6 =	sadd.s32 @!p0 $0x88, s6;
	s7 =	simm.s32 @p2 $0x1082  }
0x22: {  	[simem:s7], [sflag:s8] =	dma.local @!p0 [hbm:s6], $0xF7A  }
0x23: {  	s9 =	sor.u32 $0xD0000000, s2;
	s6 =	simm.s32 $0x108;
	_ =	swait.ge @!p0 [sflag:s8], $0x0  }
0x24: {  	s3 =	sadd.s32 $0x88, s3;
	s6 =	simm.s32 @!p1 $0x1082;
	[sflag:s4] =	ssyncset.s32 $0xFFFFF086  }
0x25: {  	[simem:s6], [sflag:s4] =	dma.local [hbm:s3], $0xF7A  }
0x26: {  	[smem:$0x3F96] =	sst s1;
	(tag) =	ssettag s2;
	_ =	strace s9  }
0x27: {  	s1 =	sld [smem:$0x3FA6]  }
0x28: {  	s2 =	sld [smem:$0x3FA7]  }
0x29: {  	s4 =	sld [smem:$0x3FA9]  }
0x2a: {  	p0 =	seq.s32 s5, $0x0;
	s5 =	sld [smem:$0x3FAA]  }
0x2b: {  	s6 =	sld [smem:$0x3FAB]  }
0x2c: {  	s7 =	sld [smem:$0x3FAC]  }
0x2d: {  	s3 =	simm.s32 $0x108;
	s8 =	sld [smem:$0x3FAD]  }
0x2e: {  	s3 =	simm.s32 @!p0 $0x1082;
	s9 =	sld [smem:$0x3FAE]  }
0x2f: {  	lr =	sadd.s32 s0, s3;
	s0 =	sld [smem:$0x3FA5]  }
0x30: {  	s3 =	sld [smem:$0x3FA8]  }
0x31: {  	[smem:$0x3FB1] =	sst s10  }
0x32: {  	s10 =	sld [smem:$0x3FAF];
	_ =	sdelay $0x3  }
0x33: {  	p0 =	seq.s32 s10, $0x1;
	s10 =	sld [smem:$0x3FB1];
	_ =	sdelay $0x3  }
0x34: {  	[smem:$0x3FB1] =	sst s10  }
0x35: {  	s10 =	sld [smem:$0x3FB0];
	_ =	sdelay $0x3  }
0x36: {  	p1 =	seq.s32 s10, $0x1;
	s10 =	sld [smem:$0x3FB1];
	_ =	sdelay $0x3  }
0x37: {  	[smem:$0x3FB1] =	sst s10  }
0x38: {  	s10 =	sld [smem:$0x3FB2]  }
0x39: {  	_ = 	snop;
	(pc) =	sbr.ind lr, $3  }
0x3a: {  	_ = 	snop  }
0x3b: {  	_ = 	snop  }
0x3c: {  	p2 =	seq.s32 s10, $0x1;
	s10 =	sld [smem:$0x3FB1]  }
0x3d: {  	_ =	shalt  }
0x3e: {  	_ =	shalt  }
0x3f: {  	_ =	shalt  }
0x40: {  	_ =	shalt  }
0x41: {  	_ =	shalt  }
0x42: {  	_ =	shalt  }
0x43: {  	_ =	shalt  }
0x44: {  	_ =	shalt  }
0x45: {  	_ =	shalt  }
0x46: {  	_ =	shalt  }
0x47: {  	_ =	shalt  }
0x48: {  	_ =	shalt  }
0x49: {  	_ =	shalt  }
0x4a: {  	_ =	shalt  }
0x4b: {  	_ =	shalt  }
0x4c: {  	_ =	shalt  }
0x4d: {  	_ =	shalt  }
0x4e: {  	_ =	shalt  }
0x4f: {  	_ =	shalt  }
0x50: {  	_ =	shalt  }
0x51: {  	_ =	shalt  }
0x52: {  	_ =	shalt  }
0x53: {  	_ =	shalt  }
0x54: {  	_ =	shalt  }
0x55: {  	_ =	shalt  }
0x56: {  	_ =	shalt  }
0x57: {  	_ =	shalt  }
0x58: {  	_ =	shalt  }
0x59: {  	_ =	shalt  }
0x5a: {  	_ =	shalt  }
0x5b: {  	_ =	shalt  }
0x5c: {  	_ =	shalt  }
0x5d: {  	_ =	shalt  }
0x5e: {  	_ =	shalt  }
0x5f: {  	_ =	shalt  }
0x60: {  	_ =	shalt  }
0x61: {  	_ =	shalt  }
0x62: {  	_ =	shalt  }
0x63: {  	_ =	shalt  }
0x64: {  	_ =	shalt  }
0x65: {  	_ =	shalt  }
0x66: {  	_ =	shalt  }
0x67: {  	_ =	shalt  }
0x68: {  	_ =	shalt  }
0x69: {  	_ =	shalt  }
0x6a: {  	_ =	shalt  }
0x6b: {  	_ =	shalt  }
0x6c: {  	_ =	shalt  }
0x6d: {  	_ =	shalt  }
0x6e: {  	_ =	shalt  }
0x6f: {  	_ =	shalt  }
0x70: {  	_ =	shalt  }
0x71: {  	_ =	shalt  }
0x72: {  	_ =	shalt  }
0x73: {  	_ =	shalt  }
0x74: {  	_ =	shalt  }
0x75: {  	_ =	shalt  }
0x76: {  	_ =	shalt  }
0x77: {  	_ =	shalt  }
0x78: {  	_ =	shalt  }
0x79: {  	_ =	shalt  }
0x7a: {  	_ =	shalt  }
0x7b: {  	_ =	shalt  }
0x7c: {  	_ =	shalt  }
0x7d: {  	_ =	shalt  }
0x7e: {  	_ =	shalt  }
0x7f: {  	_ =	shalt  }
0x80: {  	_ =	shalt  }
0x81: {  	_ =	shalt  }
0x82: {  	_ =	shalt  }
0x83: {  	_ =	shalt  }
0x84: {  	_ =	shalt  }
0x85: {  	_ =	shalt  }
0x86: {  	_ =	shalt  }
0x87: {  	_ =	shalt  }
.Lfunc_end0:
.L_simem_size_0:
called_computation.2_lowered:
.L_overlay_start_0:
0x88: {  	s2 =	sld [smem:$0x3FD9]  }
0x89: {  	s3 =	sld [smem:$0x3FFE];
	_ =	sdelay $0x1  }
0x8a: {  	s1 =	srdreg.scid  }
0x8b: {  	s0 =	sand.u32 $0x1, s1  }
0x8c: {  	s17 =	sshll.u32 s0, $0xA;
	s2 =	sadd.s32 s3, s2  }
0x8d: {  	s2 =	sadd.s32 s2, s17  }
0x8e: {  	[smem:$0x3FBD] =	sst s2  }
0x8f: {  	_ = 	snop  }
0x90: {  	s2 =	sld [smem:$0x3FD0];
	(tm) =	ssettm $0x1  }
0x91: {  	s18 =	sld [smem:$0x3FFB];
	_ =	sdelay $0x3  }
0x92: {  	_ =	strace s18  }
0x93: {  	s3 =	sld [smem:$0x3FFC];
	_ =	sdelay $0x3  }
0x94: {  	_ =	strace s3  }
0x95: {  	s3 =	sld [smem:$0x3FFD];
	_ =	sdelay $0x3  }
0x96: {  	_ =	strace s3  }
0x97: {  	_ =	strace $0x8FFFFFFF  }
0x98: {  	s19 =	sld [smem:$0x3FDB];
	_ =	sdelay $0x1  }
0x99: {  	s4 =	simm.s32 $_scs_section_size  }
0x9a: {  	s5 =	simm.s32 $_size__tile_overlayer_lowered;
	s6 =	simm.s32 $_tile_overlayer_lowered  }
0x9b: {  	s22 =	simm.s32 $0x1BFF;
	s21 =	sshll.u32 s6, $0x1;
	s3 =	sadd.s32 s4, s19  }
0x9c: {  	s7 =	simm.s32 $0x0;
	s20 =	sshll.u32 s5, $0x1;
	s5 =	sadd.s32 s21, s3  }
0x9d: {  	[timem:s7], [sflag:s22] =	dma.local [hbm:s5], s20  }
0x9e: {  	_ =	swait.ge [sflag:s22], s20  }
0x9f: {  	s4 =	ssub.s32 $0x0, s20;
	[sflag:s22] =	ssyncset.done $0x0  }
0xa0: {  	[sflag:s22] =	ssyncadd.s32 s4;
	_ =	sdelay $0x1  }
0xa1: {  	s23 =	simm.s32 $0x1B8B  }
0xa2: {  	_ =	swait.ge [sflag:s23], $0x1  }
0xa3: {  	[sflag:s23] =	ssyncset.done $0x0  }
0xa4: {  	s25 =	simm.s32 $0x1B8E;
	s24 =	sld [smem:$0x3FFE];
	[sflag:s23] =	ssyncadd.s32 $0xFFFFFFFF  }
0xa5: {  	s26 =	simm.s32 $execute0_lowered;
	[smem:$0x3FD2] =	sst s25  }
0xa6: {  	s5 =	sshll.u32 s26, $0x1;
	_ =	strace $0x8000004C;
	[dreg:$0x1] =	wrdreg $0xFFFFFFFF  }
0xa7: {  	s28 =	simm.s32 $_size_execute0_lowered;
	s3 =	sadd.s32 s3, s5;
	[dreg:$0x0] =	wrdreg $0x0  }
0xa8: {  	s5 =	sshll.u32 s28, $0x1;
	[dreg:$0x2] =	wrdreg s3  }
0xa9: {  	[dreg:$0x3] =	wrdreg s5  }
0xaa: {  	[dreg:$0x4] =	wrdreg $0xC0  }
0xab: {  	_ =	task [dreg:s7], $0x5FFFF  }
0xac: {  	[dreg:$0x1] =	wrdreg $0xFFFFFFFF  }
0xad: {  	[dreg:$0x0] =	wrdreg $0x60  }
0xae: {  	[dreg:$0x2] =	wrdreg s24  }
0xaf: {  	[dreg:$0x3] =	wrdreg s2  }
0xb0: {  	[dreg:$0x4] =	wrdreg $0xC4000  }
0xb1: {  	[dreg:$0x5] =	wrdreg $0x9  }
0xb2: {  	_ =	task.clear_ibuf [dreg:s7], $0x6FFFF;
	_ =	strace $0x9000004C  }
0xb3: {  	s29 =	simm.s32 $0x9;
	_ =	strace $0x8000004E  }
0xb4: {  	_ =	swait.ge [sflag:s29], $0x1  }
0xb5: {  	[sflag:s29] =	ssyncadd.s32 $0xFFFFFFFF  }
0xb6: {  	_ =	strace $0x9000004E  }
0xb7: {  	_ =	sfence  }
0xb8: {  	s30 =	sld [smem:$0x0];
	_ =	sdelay $0x2  }
0xb9: {  	s31 =	sshll.u32 s1, $0xD;
	s1 =	sshrl.u32 s1, $0x2  }
0xba: {  	s3 =	sand.u32 $0x4000, s31;
	s1 =	sadd.s32 s1, s30  }
0xbb: {  	s0 =	sor.u32 s3, s0;
	s1 =	sshll.u32 s1, $0x11  }
0xbc: {  	s0 =	sor.u32 s1, s0  }
0xbd: {  	s0 =	sadd.s32 $0x8F2B, s0  }
0xbe: {  	[sflag:s0] =	ssyncadd.remote.s32 $0x1  }
0xbf: {  	_ =	sfence.sel $0xFFFF  }
0xc0: {  	[dreg:$0x0] =	wrdreg $0xFFFFFFFF;
	(pc) =	sbr.abs _section_cstart, $3  }
0xc1: {  	[dreg:$0x1] =	wrdreg $0xFFFFFFFF  }
0xc2: {  	_ =	task.clear_ibuf [dreg:s7], $0x2FFFF;
	_ =	strace $0x9FFFFFFF  }
0xc3: {  	(tm) =	ssettm $0x7FFFFFFF  }
tec
execute0_lowered:
.L_overlay_start_1:
0x0: {  	(tag) =	ssettag $0x1  }
0x1: {  	s5 =	rddreg [dreg:$0x0]  }
0x2: {  	s1 =	srdreg.scid;
	s8 =	rddreg [dreg:$0x1]  }
0x3: {  	s0 =	stileid.u32;
	s2 =	rddreg [dreg:$0x2];
	s3 =	simm.s32 $0x0  }
0x4: {  	s15 =	simm.s32 $0x5C00;
	s16 =	simm.s32 $0x1;
	s17 =	simm.s32 $0x9000  }
0x5: {  	s18 =	simm.s32 $0x2;
	s19 =	simm.s32 $0x2880;
	s20 =	simm.s32 $0x3  }
0x6: {  	s21 =	simm.s32 $0xD0;
	s22 =	simm.s32 $0x4;
	s23 =	simm.s32 $0x5800  }
0x7: {  	s24 =	simm.s32 $0x5880;
	s25 =	simm.s32 $0x0;
	s6 =	sand.u32 $0x1, s1  }
0x8: {  	s28 =	sshll.u32 s0, $0x1;
	s1 =	rddreg [dreg:$0x3];
	s10 =	smul.u32 $0x13C00, s0  }
0x9: {  	[smem:$0x7FF] =	sst s3;
	s4 =	sadd.s32 $0xD600, s5;
	s29 =	smul.u32 $0x4F000, s0  }
0xa: {  	s31 =	sshll.u32 s0, $0x6;
	s7 =	sor.u32 s6, s28;
	s11 =	smul.u32 $0x13C000, s6  }
0xb: {  	_ =	strace $0x8000004D;
	s6 =	ssub.s32 $0x2, s6;
	s9 =	smul.u32 $0x4FA, s7  }
0xc: {  	s12 =	sshrl.u32 s10, $0x3;
	s13 =	sshrl.u32 s6, $0x1;
	s30 =	sshrl.u32 s29, $0x2  }
0xd: {  	s14 =	smul.u32 $0x680, s7;
	s10 =	sadd.s32 s10, s11;
	s12 =	sadd.s32 s12, s5  }
0xe: {  	s13 =	ssub.s32 s6, s13;
	s11 =	sadd.s32 s30, s2;
	s6 =	sor.u32 $0x1C05, s31  }
0xf: {  	s9 =	sadd.s32 s9, s5;
	s10 =	sshrl.u32 s10, $0x3;
	s8 =	sadd.s32 s8, s14  }
0x10: {  	s11 =	sshrl.u32 s11, $0x3;
	s14 =	simm.s32 $0x68;
	s10 =	sadd.s32 s10, s5  }
0x11: {  	s5 =	sadd.s32 $0x34E00, s12;
	s7 =	sadd.s32 $0x3600, s9;
	s12 =	simm.s32 $0x5  }
0x12: {  	s9 =	sadd.s32 $0x5C600, s10;
	s10 =	smax.u32 s13, $0x1;
	s13 =	simm.s32 $0x2800  }
.LBB2_1:
0x13: {  	[spmem:s11], [sflag:s6] =	dma.local [hbm:s5], $0x2780  }
0x14: {  	_ =	swait.ge [sflag:s12], $0x2780  }
0x15: {  	[sflag:s12] =	ssyncset.done $0x0  }
0x16: {  	[sflag:s12] =	ssyncadd.s32 $0xFFFFD880  }
0x17: {  	[tilespmem:s3], [sflag:$0x5] =	stream.linear.gather [hbm4b:s7+s3], $0x27D0, $0x38;
	v63 =	vld [tilespmem:$0x0]  }
0x18: {  	_ =	swait.ge [sflag:s12], $0x27D0  }
0x19: {  	[sflag:s12] =	ssyncset.done $0x0  }
0x1a: {  	[sflag:s12] =	ssyncadd.s32 $0xFFFFD830  }
0x1b: {  	[tilespmem:s13], [sflag:$0x5] =	stream.linear.gather [hbm4b:s8+s3], $0x3100, $0x38;
	v63 =	vld [tilespmem:$0x0]  }
0x1c: {  	_ =	swait.ge [sflag:s12], $0x3100  }
0x1d: {  	[sflag:s12] =	ssyncset.done $0x0  }
0x1e: {  	[sflag:s12] =	ssyncadd.s32 $0xFFFFCF00  }
0x1f: {  	[bflag:$0x0] =	sbarrier.arrive $0xFFFF  }
0x20: {  	[tilespmem:s15], [sflag:$0x1] =	stream.indirect.gather [hbm4b:s4+s14], $0x80, s3, s14, $0xb8;
	v63 =	vld [tilespmem:$0x0]  }
0x21: {  	_ =	swait.ge [sflag:s16], $0x3400  }
0x22: {  	[sflag:s16] =	ssyncset.done $0x0  }
0x23: {  	[sflag:s16] =	ssyncadd.s32 $0xFFFFCC00  }
0x24: {  	[spmem:s2] =	stream.indirect.scatter.add.f32 [tilespmem:s15], [sflag:$0x3], $0x80, s13, s14, $0xb8;
	v63 =	vld [tilespmem:$0x0]  }
0x25: {  	_ = 	snop  }
0x26: {  	[tilespmem:s17], [sflag:$0x2] =	stream.indirect.gather [hbm4b:s4+s14], $0x80, s14, s14, $0xb8;
	v63 =	vld [tilespmem:$0x0]  }
0x27: {  	_ =	swait.ge [sflag:s18], $0x3400  }
0x28: {  	[sflag:s18] =	ssyncset.done $0x0  }
0x29: {  	[sflag:s18] =	ssyncadd.s32 $0xFFFFCC00  }
0x2a: {  	[spmem:s2] =	stream.indirect.scatter.add.f32 [tilespmem:s17], [sflag:$0x4], $0x80, s19, s14, $0xb8;
	v63 =	vld [tilespmem:$0x0]  }
0x2b: {  	_ =	swait.ge [sflag:s20], $0x3400  }
0x2c: {  	[sflag:s20] =	ssyncset.done $0x0  }
0x2d: {  	[sflag:s20] =	ssyncadd.s32 $0xFFFFCC00  }
0x2e: {  	[tilespmem:s15], [sflag:$0x1] =	stream.indirect.gather [hbm4b:s4+s14], $0x80, s21, s14, $0xb8;
	v63 =	vld [tilespmem:$0x0]  }
0x2f: {  	_ =	swait.ge [sflag:s16], $0x3400  }
0x30: {  	[sflag:s16] =	ssyncset.done $0x0  }
0x31: {  	s26 =	simm.s32 $0x2900;
	[sflag:s16] =	ssyncadd.s32 $0xFFFFCC00  }
0x32: {  	[spmem:s2] =	stream.indirect.scatter.add.f32 [tilespmem:s15], [sflag:$0x3], $0x80, s26, s14, $0xb8;
	v63 =	vld [tilespmem:$0x0]  }
0x33: {  	_ =	swait.ge [sflag:s22], $0x3400  }
0x34: {  	[sflag:s22] =	ssyncset.done $0x0  }
0x35: {  	s30 =	simm.s32 $0x138;
	[sflag:s22] =	ssyncadd.s32 $0xFFFFCC00  }
0x36: {  	[tilespmem:s17], [sflag:$0x2] =	stream.indirect.gather [hbm4b:s4+s14], $0x80, s30, s14, $0xb8;
	v63 =	vld [tilespmem:$0x0]  }
0x37: {  	_ =	swait.ge [sflag:s18], $0x3400  }
0x38: {  	[sflag:s18] =	ssyncset.done $0x0  }
0x39: {  	s31 =	simm.s32 $0x2980;
	[sflag:s18] =	ssyncadd.s32 $0xFFFFCC00  }
0x3a: {  	[spmem:s2] =	stream.indirect.scatter.add.f32 [tilespmem:s17], [sflag:$0x4], $0x80, s31, s14, $0xb8;
	v63 =	vld [tilespmem:$0x0]  }
0x3b: {  	_ =	swait.ge [sflag:s20], $0x3400  }
0x3c: {  	s28 =	simm.s32 $0xFFFF4800;
	[sflag:s20] =	ssyncset.done $0x0  }
0x3d: {  	s29 =	simm.s32 $0x1A0;
	s26 =	simm.s32 $0x208;
	[sflag:s20] =	ssyncadd.s32 $0xFFFFCC00  }
.LBB2_2:
0x3e: {  	[tilespmem:s15], [sflag:$0x1] =	stream.indirect.gather [hbm4b:s4+s14], $0x80, s29, s14, $0xb8;
	v63 =	vld [tilespmem:$0x0]  }
0x3f: {  	s29 =	smov.u32 s28  }
0x40: {  	p0 =	sne.s32 s28, $0xFFFFFC00;
	s28 =	sadd.s32 $0x400, s28;
	_ =	swait.ge [sflag:s16], $0x3400  }
0x41: {  	s29 =	sshra.s32 s29, $0x2;
	[sflag:s16] =	ssyncset.done $0x0  }
0x42: {  	s30 =	sadd.s32 $0x5800, s29;
	[sflag:s16] =	ssyncadd.s32 $0xFFFFCC00  }
0x43: {  	[spmem:s2] =	stream.indirect.scatter.add.f32 [tilespmem:s15], [sflag:$0x3], $0x80, s30, s14, $0xb8;
	v63 =	vld [tilespmem:$0x0]  }
0x44: {  	_ =	swait.ge [sflag:s22], $0x3400  }
0x45: {  	[sflag:s22] =	ssyncset.done $0x0  }
0x46: {  	[sflag:s22] =	ssyncadd.s32 $0xFFFFCC00  }
0x47: {  	[tilespmem:s17], [sflag:$0x2] =	stream.indirect.gather [hbm4b:s4+s14], $0x80, s26, s14, $0xb8;
	v63 =	vld [tilespmem:$0x0]  }
0x48: {  	_ =	swait.ge [sflag:s18], $0x3400  }
0x49: {  	[sflag:s18] =	ssyncset.done $0x0  }
.Ltmp0:
0x4a: {  	s29 =	sadd.s32 $0x5880, s29;
	[sflag:s18] =	ssyncadd.s32 $0xFFFFCC00;
	(pc) =	sbr.rel @p0 .LBB2_2-.Ltmp0, $4  }
0x4b: {  	[spmem:s2] =	stream.indirect.scatter.add.f32 [tilespmem:s17], [sflag:$0x4], $0x80, s29, s14, $0xb8;
	v63 =	vld [tilespmem:$0x0]  }
0x4c: {  	_ =	swait.ge [sflag:s20], $0x3400  }
0x4d: {  	[sflag:s20] =	ssyncset.done $0x0  }
0x4e: {  	s29 =	sadd.s32 $0x68, s26;
	s26 =	sadd.s32 $0xD0, s26;
	[sflag:s20] =	ssyncadd.s32 $0xFFFFCC00  }
0x4f: {  	[tilespmem:s15], [sflag:$0x1] =	stream.indirect.gather [hbm4b:s4+s14], $0x80, s29, s14, $0xb8;
	v63 =	vld [tilespmem:$0x0]  }
0x50: {  	_ =	swait.ge [sflag:s16], $0x3400  }
0x51: {  	[sflag:s16] =	ssyncset.done $0x0  }
0x52: {  	[sflag:s16] =	ssyncadd.s32 $0xFFFFCC00  }
0x53: {  	[spmem:s2] =	stream.indirect.scatter.add.f32 [tilespmem:s15], [sflag:$0x3], $0x80, s23, s14, $0xb8;
	v63 =	vld [tilespmem:$0x0]  }
0x54: {  	_ =	swait.ge [sflag:s22], $0x3400  }
0x55: {  	[sflag:s22] =	ssyncset.done $0x0  }
0x56: {  	[sflag:s22] =	ssyncadd.s32 $0xFFFFCC00  }
0x57: {  	[tilespmem:s17], [sflag:$0x2] =	stream.indirect.gather [hbm4b:s4+s14], $0x80, s26, s14, $0xb8;
	v63 =	vld [tilespmem:$0x0]  }
0x58: {  	_ =	swait.ge [sflag:s18], $0x3400  }
0x59: {  	[sflag:s18] =	ssyncset.done $0x0  }
0x5a: {  	[sflag:s18] =	ssyncadd.s32 $0xFFFFCC00  }
0x5b: {  	[spmem:s2] =	stream.indirect.scatter.add.f32 [tilespmem:s17], [sflag:$0x4], $0x80, s24, s14, $0xb8;
	v63 =	vld [tilespmem:$0x0]  }
0x5c: {  	_ =	swait.ge [sflag:s20], $0x3400  }
0x5d: {  	[sflag:s20] =	ssyncset.done $0x0  }
0x5e: {  	[sflag:s20] =	ssyncadd.s32 $0xFFFFCC00  }
0x5f: {  	_ =	swait.ge [sflag:s22], $0x3400  }
0x60: {  	s25 =	sadd.s32 $0x1, s25;
	[sflag:s22] =	ssyncset.done $0x0  }
0x61: {  	p0 =	sne.s32 s25, s10;
	[sflag:s22] =	ssyncadd.s32 $0xFFFFCC00  }
.Ltmp1:
0x62: {  	[bflag:$0x0] =	sbarrier.arrive $0xFFFF;
	(pc) =	sbr.rel @p0 .LBB2_1-.Ltmp1, $4  }
0x63: {  	[hbm:s9], [sflag:s6] =	dma.local [spmem:s11], $0x2780  }
0x64: {  	_ =	swait.ge [sflag:s12], $0x2780  }
0x65: {  	[sflag:s12] =	ssyncset.done $0x0  }
0x66: {  	[sflag:s12] =	ssyncadd.s32 $0xFFFFD880  }
0x67: {  	_ =	sfence.sel $0x180000  }
0x68: {  	[bflag:$0x0] =	sbarrier.arrive $0xFFFF  }
0x69: {  	p0 =	sne.s32 s0, $0x0;
	_ =	strace $0x9000004D  }
0x6a: {  	s0 =	sadd.s32 @!p0 $0x100000, s1;
	[bflag:$0x2] =	sbarrier.arrive $0xFFFF  }
0x6b: {  	[sflag:s0] =	ssyncadd.tile.s32 @!p0 $0x1;
	_ =	shalt  }
.Lfunc_end2:
_tile_overlayer_lowered:
.L_overlay_start_2:
0x6c: {  	(tag) =	ssettag $0x2  }
0x6d: {  	s0 =	rddreg [dreg:$0x0];
	s2 =	stileid.u32  }
0x6e: {  	s1 =	rddreg [dreg:$0x1];
	p0 =	sne.s32 s2, $0x0  }
0x6f: {  	s3 =	rddreg [dreg:$0x2];
	[bflag:$0x3] =	sbarrier.arrive $0xFFFF;
	s2 =	simm.s32 @!p0 $0x1C05  }
0x70: {  	[timem:s3], [sflag:s2] =	dma.local @!p0 [hbm:s0], s1  }
0x71: {  	s0 =	simm.s32 @!p0 $0x5  }
0x72: {  	_ =	swait.ge @!p0 [sflag:s0], s1  }
0x73: {  	s1 =	ssub.s32 @!p0 $0x0, s1;
	[sflag:s0] =	ssyncset.done @!p0 $0x0  }
0x74: {  	[sflag:s0] =	ssyncadd.s32 @!p0 s1  }
0x75: {  	[bflag:$0x3] =	sbarrier.arrive $0xFFFF  }
0x76: {  	_ =	shalt  }

// kernel: kernel.9.cloned.1.call-start
scs
__scs_entry_jumppad:
0x0: {  	(pc) =	sbr.rel $0x88, $3  }
0x1: {  	(tag) =	ssettag $0x0;
	lr =	simm.s32 $0x1  }
0x2: {  	[smem:$0x3F96] =	sst lr;
	_ =	strace $0xD0000000  }
0x3: {  	_ = 	snop  }
0x4: {  	_ = 	snop  }
0x5: {  	_ = 	snop  }
0x6: {  	_ = 	snop  }
0x7: {  	_ = 	snop  }
__scs_overlays_trampoline_lowered:
0x8: {  	[smem:$0x3FA5] =	sst s0  }
0x9: {  	[smem:$0x3FA6] =	sst s1  }
0xa: {  	[smem:$0x3FA7] =	sst s2  }
0xb: {  	[smem:$0x3FA8] =	sst s3  }
0xc: {  	[smem:$0x3FA9] =	sst s4  }
0xd: {  	[smem:$0x3FAA] =	sst s5  }
0xe: {  	[smem:$0x3FAB] =	sst s6  }
0xf: {  	[smem:$0x3FAC] =	sst s7  }
0x10: {  	[smem:$0x3FAD] =	sst s8  }
0x11: {  	[smem:$0x3FAE] =	sst s9;
	s0 =	simm.s32 @!p0 $0x0  }
0x12: {  	s1 =	sld [smem:$0x3F94];
	s0 =	simm.s32 @p0 $0x1  }
0x13: {  	[smem:$0x3FAF] =	sst s0;
	s0 =	simm.s32 @!p1 $0x0  }
0x14: {  	s2 =	sld [smem:$0x3F93];
	s0 =	simm.s32 @p1 $0x1  }
0x15: {  	[smem:$0x3FB0] =	sst s0;
	s0 =	simm.s32 @!p2 $0x0  }
0x16: {  	s3 =	sld [smem:$0x3FDB];
	s0 =	simm.s32 @p2 $0x1  }
0x17: {  	s4 =	simm.s32 $0x1BF5;
	[smem:$0x3FB2] =	sst s0  }
0x18: {  	s0 =	sld [smem:$0x3F95];
	_ =	swait.ge [sflag:s4], $0x0  }
0x19: {  	s7 =	sld [smem:$0x3F96]  }
0x1a: {  	s8 =	sadd.s32 $0xFFFFE003, lr  }
0x1b: {  	s9 =	sadd.s32 $0xFFFFFEF7, lr;
	s5 =	simm.s32 $0xFFFFFFFF;
	p2 =	slt.u32 s8, $0xFFFFF086  }
0x1c: {  	p1 =	slt.u32 s9, $0xF7A;
	s5 =	simm.s32 @!p2 $0x0  }
0x1d: {  	s5 =	simm.s32 @p1 $0x1;
	p0 =	seq.s32 s7, s2  }
0x1e: {  	s7 =	smul.u32 @!p0 $0xF7A, s2;
	p2 =	seq.s32 @!p0 s5, $0x0  }
0x1f: {  	s9 =	smul.u32 $0xF7A, s1;
	s8 =	simm.s32 @!p0 $0x1BF5;
	p2 =	por !p2, p0  }
0x20: {  	[sflag:s8] =	ssyncset.s32 @!p0 $0xFFFFF086;
	s6 =	sadd.s32 @!p0 s3, s7;
	s7 =	simm.s32 @!p0 $0x108  }
0x21: {  	s3 =	sadd.s32 s3, s9;
	s6 =	sadd.s32 @!p0 $0x88, s6;
	s7 =	simm.s32 @p2 $0x1082  }
0x22: {  	[simem:s7], [sflag:s8] =	dma.local @!p0 [hbm:s6], $0xF7A  }
0x23: {  	s9 =	sor.u32 $0xD0000000, s2;
	s6 =	simm.s32 $0x108;
	_ =	swait.ge @!p0 [sflag:s8], $0x0  }
0x24: {  	s3 =	sadd.s32 $0x88, s3;
	s6 =	simm.s32 @!p1 $0x1082;
	[sflag:s4] =	ssyncset.s32 $0xFFFFF086  }
0x25: {  	[simem:s6], [sflag:s4] =	dma.local [hbm:s3], $0xF7A  }
0x26: {  	[smem:$0x3F96] =	sst s1;
	(tag) =	ssettag s2;
	_ =	strace s9  }
0x27: {  	s1 =	sld [smem:$0x3FA6]  }
0x28: {  	s2 =	sld [smem:$0x3FA7]  }
0x29: {  	s4 =	sld [smem:$0x3FA9]  }
0x2a: {  	p0 =	seq.s32 s5, $0x0;
	s5 =	sld [smem:$0x3FAA]  }
0x2b: {  	s6 =	sld [smem:$0x3FAB]  }
0x2c: {  	s7 =	sld [smem:$0x3FAC]  }
0x2d: {  	s3 =	simm.s32 $0x108;
	s8 =	sld [smem:$0x3FAD]  }
0x2e: {  	s3 =	simm.s32 @!p0 $0x1082;
	s9 =	sld [smem:$0x3FAE]  }
0x2f: {  	lr =	sadd.s32 s0, s3;
	s0 =	sld [smem:$0x3FA5]  }
0x30: {  	s3 =	sld [smem:$0x3FA8]  }
0x31: {  	[smem:$0x3FB1] =	sst s10  }
0x32: {  	s10 =	sld [smem:$0x3FAF];
	_ =	sdelay $0x3  }
0x33: {  	p0 =	seq.s32 s10, $0x1;
	s10 =	sld [smem:$0x3FB1];
	_ =	sdelay $0x3  }
0x34: {  	[smem:$0x3FB1] =	sst s10  }
0x35: {  	s10 =	sld [smem:$0x3FB0];
	_ =	sdelay $0x3  }
0x36: {  	p1 =	seq.s32 s10, $0x1;
	s10 =	sld [smem:$0x3FB1];
	_ =	sdelay $0x3  }
0x37: {  	[smem:$0x3FB1] =	sst s10  }
0x38: {  	s10 =	sld [smem:$0x3FB2]  }
0x39: {  	_ = 	snop;
	(pc) =	sbr.ind lr, $3  }
0x3a: {  	_ = 	snop  }
0x3b: {  	_ = 	snop  }
0x3c: {  	p2 =	seq.s32 s10, $0x1;
	s10 =	sld [smem:$0x3FB1]  }
0x3d: {  	_ =	shalt  }
0x3e: {  	_ =	shalt  }
0x3f: {  	_ =	shalt  }
0x40: {  	_ =	shalt  }
0x41: {  	_ =	shalt  }
0x42: {  	_ =	shalt  }
0x43: {  	_ =	shalt  }
0x44: {  	_ =	shalt  }
0x45: {  	_ =	shalt  }
0x46: {  	_ =	shalt  }
0x47: {  	_ =	shalt  }
0x48: {  	_ =	shalt  }
0x49: {  	_ =	shalt  }
0x4a: {  	_ =	shalt  }
0x4b: {  	_ =	shalt  }
0x4c: {  	_ =	shalt  }
0x4d: {  	_ =	shalt  }
0x4e: {  	_ =	shalt  }
0x4f: {  	_ =	shalt  }
0x50: {  	_ =	shalt  }
0x51: {  	_ =	shalt  }
0x52: {  	_ =	shalt  }
0x53: {  	_ =	shalt  }
0x54: {  	_ =	shalt  }
0x55: {  	_ =	shalt  }
0x56: {  	_ =	shalt  }
0x57: {  	_ =	shalt  }
0x58: {  	_ =	shalt  }
0x59: {  	_ =	shalt  }
0x5a: {  	_ =	shalt  }
0x5b: {  	_ =	shalt  }
0x5c: {  	_ =	shalt  }
0x5d: {  	_ =	shalt  }
0x5e: {  	_ =	shalt  }
0x5f: {  	_ =	shalt  }
0x60: {  	_ =	shalt  }
0x61: {  	_ =	shalt  }
0x62: {  	_ =	shalt  }
0x63: {  	_ =	shalt  }
0x64: {  	_ =	shalt  }
0x65: {  	_ =	shalt  }
0x66: {  	_ =	shalt  }
0x67: {  	_ =	shalt  }
0x68: {  	_ =	shalt  }
0x69: {  	_ =	shalt  }
0x6a: {  	_ =	shalt  }
0x6b: {  	_ =	shalt  }
0x6c: {  	_ =	shalt  }
0x6d: {  	_ =	shalt  }
0x6e: {  	_ =	shalt  }
0x6f: {  	_ =	shalt  }
0x70: {  	_ =	shalt  }
0x71: {  	_ =	shalt  }
0x72: {  	_ =	shalt  }
0x73: {  	_ =	shalt  }
0x74: {  	_ =	shalt  }
0x75: {  	_ =	shalt  }
0x76: {  	_ =	shalt  }
0x77: {  	_ =	shalt  }
0x78: {  	_ =	shalt  }
0x79: {  	_ =	shalt  }
0x7a: {  	_ =	shalt  }
0x7b: {  	_ =	shalt  }
0x7c: {  	_ =	shalt  }
0x7d: {  	_ =	shalt  }
0x7e: {  	_ =	shalt  }
0x7f: {  	_ =	shalt  }
0x80: {  	_ =	shalt  }
0x81: {  	_ =	shalt  }
0x82: {  	_ =	shalt  }
0x83: {  	_ =	shalt  }
0x84: {  	_ =	shalt  }
0x85: {  	_ =	shalt  }
0x86: {  	_ =	shalt  }
0x87: {  	_ =	shalt  }
.Lfunc_end0:
.L_simem_size_0:
called_computation_lowered:
.L_overlay_start_0:
0x88: {  	s2 =	sld [smem:$0x3FD9]  }
0x89: {  	s3 =	sld [smem:$0x3FFE];
	_ =	sdelay $0x1  }
0x8a: {  	s1 =	srdreg.scid  }
0x8b: {  	s0 =	sand.u32 $0x1, s1  }
0x8c: {  	s17 =	sshll.u32 s0, $0xA;
	s2 =	sadd.s32 s3, s2  }
0x8d: {  	s2 =	sadd.s32 s2, s17  }
0x8e: {  	[smem:$0x3FBD] =	sst s2  }
0x8f: {  	_ = 	snop  }
0x90: {  	s2 =	sld [smem:$0x3FD0];
	(tm) =	ssettm $0x1  }
0x91: {  	s18 =	sld [smem:$0x3FFB];
	_ =	sdelay $0x3  }
0x92: {  	_ =	strace s18  }
0x93: {  	s3 =	sld [smem:$0x3FFC];
	_ =	sdelay $0x3  }
0x94: {  	_ =	strace s3  }
0x95: {  	s3 =	sld [smem:$0x3FFD];
	_ =	sdelay $0x3  }
0x96: {  	_ =	strace s3  }
0x97: {  	_ =	strace $0x8FFFFFFF  }
0x98: {  	s19 =	sld [smem:$0x3FDB];
	_ =	sdelay $0x1  }
0x99: {  	s4 =	simm.s32 $_scs_section_size  }
0x9a: {  	s5 =	simm.s32 $_size__tile_overlayer_lowered;
	s6 =	simm.s32 $_tile_overlayer_lowered  }
0x9b: {  	s22 =	simm.s32 $0x1BFF;
	s21 =	sshll.u32 s6, $0x1;
	s3 =	sadd.s32 s4, s19  }
0x9c: {  	s7 =	simm.s32 $0x0;
	s20 =	sshll.u32 s5, $0x1;
	s5 =	sadd.s32 s21, s3  }
0x9d: {  	[timem:s7], [sflag:s22] =	dma.local [hbm:s5], s20  }
0x9e: {  	_ =	swait.ge [sflag:s22], s20  }
0x9f: {  	s4 =	ssub.s32 $0x0, s20;
	[sflag:s22] =	ssyncset.done $0x0  }
0xa0: {  	[sflag:s22] =	ssyncadd.s32 s4;
	_ =	sdelay $0x1  }
0xa1: {  	s23 =	simm.s32 $0x1B8B  }
0xa2: {  	_ =	swait.ge [sflag:s23], $0x1  }
0xa3: {  	[sflag:s23] =	ssyncset.done $0x0  }
0xa4: {  	s25 =	simm.s32 $0x1B8E;
	s24 =	sld [smem:$0x3FFE];
	[sflag:s23] =	ssyncadd.s32 $0xFFFFFFFF  }
0xa5: {  	s26 =	simm.s32 $execute0_lowered;
	[smem:$0x3FD2] =	sst s25  }
0xa6: {  	s5 =	sshll.u32 s26, $0x1;
	_ =	strace $0x80000046;
	[dreg:$0x1] =	wrdreg $0xFFFFFFFF  }
0xa7: {  	s28 =	simm.s32 $_size_execute0_lowered;
	s3 =	sadd.s32 s3, s5;
	[dreg:$0x0] =	wrdreg $0x0  }
0xa8: {  	s5 =	sshll.u32 s28, $0x1;
	[dreg:$0x2] =	wrdreg s3  }
0xa9: {  	[dreg:$0x3] =	wrdreg s5  }
0xaa: {  	[dreg:$0x4] =	wrdreg $0xC0  }
0xab: {  	_ =	task [dreg:s7], $0x5FFFF  }
0xac: {  	[dreg:$0x1] =	wrdreg $0xFFFFFFFF  }
0xad: {  	[dreg:$0x0] =	wrdreg $0x60  }
0xae: {  	[dreg:$0x2] =	wrdreg s24  }
0xaf: {  	[dreg:$0x3] =	wrdreg s2  }
0xb0: {  	[dreg:$0x4] =	wrdreg $0xC4000  }
0xb1: {  	[dreg:$0x5] =	wrdreg $0x9  }
0xb2: {  	_ =	task.clear_ibuf [dreg:s7], $0x6FFFF;
	_ =	strace $0x90000046  }
0xb3: {  	s29 =	simm.s32 $0x9;
	_ =	strace $0x80000048  }
0xb4: {  	_ =	swait.ge [sflag:s29], $0x1  }
0xb5: {  	[sflag:s29] =	ssyncadd.s32 $0xFFFFFFFF  }
0xb6: {  	_ =	strace $0x90000048  }
0xb7: {  	_ =	sfence  }
0xb8: {  	s30 =	sld [smem:$0x0];
	_ =	sdelay $0x2  }
0xb9: {  	s31 =	sshll.u32 s1, $0xD;
	s1 =	sshrl.u32 s1, $0x2  }
0xba: {  	s3 =	sand.u32 $0x4000, s31;
	s1 =	sadd.s32 s1, s30  }
0xbb: {  	s0 =	sor.u32 s3, s0;
	s1 =	sshll.u32 s1, $0x11  }
0xbc: {  	s0 =	sor.u32 s1, s0  }
0xbd: {  	s0 =	sadd.s32 $0x8F2B, s0  }
0xbe: {  	[sflag:s0] =	ssyncadd.remote.s32 $0x1  }
0xbf: {  	_ =	sfence.sel $0xFFFF  }
0xc0: {  	[dreg:$0x0] =	wrdreg $0xFFFFFFFF;
	(pc) =	sbr.abs _section_cstart, $3  }
0xc1: {  	[dreg:$0x1] =	wrdreg $0xFFFFFFFF  }
0xc2: {  	_ =	task.clear_ibuf [dreg:s7], $0x2FFFF;
	_ =	strace $0x9FFFFFFF  }
0xc3: {  	(tm) =	ssettm $0x7FFFFFFF  }
tec
execute0_lowered:
.L_overlay_start_1:
0x0: {  	(tag) =	ssettag $0x1  }
0x1: {  	s5 =	rddreg [dreg:$0x0]  }
0x2: {  	s1 =	srdreg.scid;
	s8 =	rddreg [dreg:$0x1]  }
0x3: {  	s0 =	stileid.u32;
	s2 =	rddreg [dreg:$0x2];
	s3 =	simm.s32 $0x0  }
0x4: {  	s15 =	simm.s32 $0x5C00;
	s16 =	simm.s32 $0x1;
	s17 =	simm.s32 $0x9000  }
0x5: {  	s18 =	simm.s32 $0x2;
	s19 =	simm.s32 $0x2880;
	s20 =	simm.s32 $0x3  }
0x6: {  	s21 =	simm.s32 $0xD0;
	s22 =	simm.s32 $0x4;
	s23 =	simm.s32 $0x5800  }
0x7: {  	s24 =	simm.s32 $0x5880;
	s25 =	simm.s32 $0x0;
	s6 =	sand.u32 $0x1, s1  }
0x8: {  	s28 =	sshll.u32 s0, $0x1;
	s1 =	rddreg [dreg:$0x3];
	s10 =	smul.u32 $0x13C00, s0  }
0x9: {  	[smem:$0x7FF] =	sst s3;
	s4 =	sadd.s32 $0xD600, s5;
	s29 =	smul.u32 $0x4F000, s0  }
0xa: {  	s31 =	sshll.u32 s0, $0x6;
	s7 =	sor.u32 s6, s28;
	s11 =	smul.u32 $0x13C000, s6  }
0xb: {  	_ =	strace $0x80000047;
	s6 =	ssub.s32 $0x2, s6;
	s9 =	smul.u32 $0x4FA, s7  }
0xc: {  	s12 =	sshrl.u32 s10, $0x3;
	s13 =	sshrl.u32 s6, $0x1;
	s30 =	sshrl.u32 s29, $0x2  }
0xd: {  	s14 =	smul.u32 $0x680, s7;
	s10 =	sadd.s32 s10, s11;
	s12 =	sadd.s32 s12, s5  }
0xe: {  	s13 =	ssub.s32 s6, s13;
	s11 =	sadd.s32 s30, s2;
	s6 =	sor.u32 $0x1C05, s31  }
0xf: {  	s9 =	sadd.s32 s9, s5;
	s10 =	sshrl.u32 s10, $0x3;
	s8 =	sadd.s32 s8, s14  }
0x10: {  	s11 =	sshrl.u32 s11, $0x3;
	s14 =	simm.s32 $0x68;
	s10 =	sadd.s32 s10, s5  }
0x11: {  	s5 =	sadd.s32 $0x34E00, s12;
	s7 =	sadd.s32 $0x3600, s9;
	s12 =	simm.s32 $0x5  }
0x12: {  	s9 =	sadd.s32 $0x5C600, s10;
	s10 =	smax.u32 s13, $0x1;
	s13 =	simm.s32 $0x2800  }
.LBB2_1:
0x13: {  	[spmem:s11], [sflag:s6] =	dma.local [hbm:s5], $0x2780  }
0x14: {  	_ =	swait.ge [sflag:s12], $0x2780  }
0x15: {  	[sflag:s12] =	ssyncset.done $0x0  }
0x16: {  	[sflag:s12] =	ssyncadd.s32 $0xFFFFD880  }
0x17: {  	[tilespmem:s3], [sflag:$0x5] =	stream.linear.gather [hbm4b:s7+s3], $0x27D0, $0x38;
	v63 =	vld [tilespmem:$0x0]  }
0x18: {  	_ =	swait.ge [sflag:s12], $0x27D0  }
0x19: {  	[sflag:s12] =	ssyncset.done $0x0  }
0x1a: {  	[sflag:s12] =	ssyncadd.s32 $0xFFFFD830  }
0x1b: {  	[tilespmem:s13], [sflag:$0x5] =	stream.linear.gather [hbm4b:s8+s3], $0x3100, $0x38;
	v63 =	vld [tilespmem:$0x0]  }
0x1c: {  	_ =	swait.ge [sflag:s12], $0x3100  }
0x1d: {  	[sflag:s12] =	ssyncset.done $0x0  }
0x1e: {  	[sflag:s12] =	ssyncadd.s32 $0xFFFFCF00  }
0x1f: {  	[bflag:$0x0] =	sbarrier.arrive $0xFFFF  }
0x20: {  	[tilespmem:s15], [sflag:$0x1] =	stream.indirect.gather [hbm4b:s4+s14], $0x80, s3, s14, $0xb8;
	v63 =	vld [tilespmem:$0x0]  }
0x21: {  	_ =	swait.ge [sflag:s16], $0x3400  }
0x22: {  	[sflag:s16] =	ssyncset.done $0x0  }
0x23: {  	[sflag:s16] =	ssyncadd.s32 $0xFFFFCC00  }
0x24: {  	[spmem:s2] =	stream.indirect.scatter.add.f32 [tilespmem:s15], [sflag:$0x3], $0x80, s13, s14, $0xb8;
	v63 =	vld [tilespmem:$0x0]  }
0x25: {  	_ = 	snop  }
0x26: {  	[tilespmem:s17], [sflag:$0x2] =	stream.indirect.gather [hbm4b:s4+s14], $0x80, s14, s14, $0xb8;
	v63 =	vld [tilespmem:$0x0]  }
0x27: {  	_ =	swait.ge [sflag:s18], $0x3400  }
0x28: {  	[sflag:s18] =	ssyncset.done $0x0  }
0x29: {  	[sflag:s18] =	ssyncadd.s32 $0xFFFFCC00  }
0x2a: {  	[spmem:s2] =	stream.indirect.scatter.add.f32 [tilespmem:s17], [sflag:$0x4], $0x80, s19, s14, $0xb8;
	v63 =	vld [tilespmem:$0x0]  }
0x2b: {  	_ =	swait.ge [sflag:s20], $0x3400  }
0x2c: {  	[sflag:s20] =	ssyncset.done $0x0  }
0x2d: {  	[sflag:s20] =	ssyncadd.s32 $0xFFFFCC00  }
0x2e: {  	[tilespmem:s15], [sflag:$0x1] =	stream.indirect.gather [hbm4b:s4+s14], $0x80, s21, s14, $0xb8;
	v63 =	vld [tilespmem:$0x0]  }
0x2f: {  	_ =	swait.ge [sflag:s16], $0x3400  }
0x30: {  	[sflag:s16] =	ssyncset.done $0x0  }
0x31: {  	s26 =	simm.s32 $0x2900;
	[sflag:s16] =	ssyncadd.s32 $0xFFFFCC00  }
0x32: {  	[spmem:s2] =	stream.indirect.scatter.add.f32 [tilespmem:s15], [sflag:$0x3], $0x80, s26, s14, $0xb8;
	v63 =	vld [tilespmem:$0x0]  }
0x33: {  	_ =	swait.ge [sflag:s22], $0x3400  }
0x34: {  	[sflag:s22] =	ssyncset.done $0x0  }
0x35: {  	s30 =	simm.s32 $0x138;
	[sflag:s22] =	ssyncadd.s32 $0xFFFFCC00  }
0x36: {  	[tilespmem:s17], [sflag:$0x2] =	stream.indirect.gather [hbm4b:s4+s14], $0x80, s30, s14, $0xb8;
	v63 =	vld [tilespmem:$0x0]  }
0x37: {  	_ =	swait.ge [sflag:s18], $0x3400  }
0x38: {  	[sflag:s18] =	ssyncset.done $0x0  }
0x39: {  	s31 =	simm.s32 $0x2980;
	[sflag:s18] =	ssyncadd.s32 $0xFFFFCC00  }
0x3a: {  	[spmem:s2] =	stream.indirect.scatter.add.f32 [tilespmem:s17], [sflag:$0x4], $0x80, s31, s14, $0xb8;
	v63 =	vld [tilespmem:$0x0]  }
0x3b: {  	_ =	swait.ge [sflag:s20], $0x3400  }
0x3c: {  	s28 =	simm.s32 $0xFFFF4800;
	[sflag:s20] =	ssyncset.done $0x0  }
0x3d: {  	s29 =	simm.s32 $0x1A0;
	s26 =	simm.s32 $0x208;
	[sflag:s20] =	ssyncadd.s32 $0xFFFFCC00  }
.LBB2_2:
0x3e: {  	[tilespmem:s15], [sflag:$0x1] =	stream.indirect.gather [hbm4b:s4+s14], $0x80, s29, s14, $0xb8;
	v63 =	vld [tilespmem:$0x0]  }
0x3f: {  	s29 =	smov.u32 s28  }
0x40: {  	p0 =	sne.s32 s28, $0xFFFFFC00;
	s28 =	sadd.s32 $0x400, s28;
	_ =	swait.ge [sflag:s16], $0x3400  }
0x41: {  	s29 =	sshra.s32 s29, $0x2;
	[sflag:s16] =	ssyncset.done $0x0  }
0x42: {  	s30 =	sadd.s32 $0x5800, s29;
	[sflag:s16] =	ssyncadd.s32 $0xFFFFCC00  }
0x43: {  	[spmem:s2] =	stream.indirect.scatter.add.f32 [tilespmem:s15], [sflag:$0x3], $0x80, s30, s14, $0xb8;
	v63 =	vld [tilespmem:$0x0]  }
0x44: {  	_ =	swait.ge [sflag:s22], $0x3400  }
0x45: {  	[sflag:s22] =	ssyncset.done $0x0  }
0x46: {  	[sflag:s22] =	ssyncadd.s32 $0xFFFFCC00  }
0x47: {  	[tilespmem:s17], [sflag:$0x2] =	stream.indirect.gather [hbm4b:s4+s14], $0x80, s26, s14, $0xb8;
	v63 =	vld [tilespmem:$0x0]  }
0x48: {  	_ =	swait.ge [sflag:s18], $0x3400  }
0x49: {  	[sflag:s18] =	ssyncset.done $0x0  }
.Ltmp0:
0x4a: {  	s29 =	sadd.s32 $0x5880, s29;
	[sflag:s18] =	ssyncadd.s32 $0xFFFFCC00;
	(pc) =	sbr.rel @p0 .LBB2_2-.Ltmp0, $4  }
0x4b: {  	[spmem:s2] =	stream.indirect.scatter.add.f32 [tilespmem:s17], [sflag:$0x4], $0x80, s29, s14, $0xb8;
	v63 =	vld [tilespmem:$0x0]  }
0x4c: {  	_ =	swait.ge [sflag:s20], $0x3400  }
0x4d: {  	[sflag:s20] =	ssyncset.done $0x0  }
0x4e: {  	s29 =	sadd.s32 $0x68, s26;
	s26 =	sadd.s32 $0xD0, s26;
	[sflag:s20] =	ssyncadd.s32 $0xFFFFCC00  }
0x4f: {  	[tilespmem:s15], [sflag:$0x1] =	stream.indirect.gather [hbm4b:s4+s14], $0x80, s29, s14, $0xb8;
	v63 =	vld [tilespmem:$0x0]  }
0x50: {  	_ =	swait.ge [sflag:s16], $0x3400  }
0x51: {  	[sflag:s16] =	ssyncset.done $0x0  }
0x52: {  	[sflag:s16] =	ssyncadd.s32 $0xFFFFCC00  }
0x53: {  	[spmem:s2] =	stream.indirect.scatter.add.f32 [tilespmem:s15], [sflag:$0x3], $0x80, s23, s14, $0xb8;
	v63 =	vld [tilespmem:$0x0]  }
0x54: {  	_ =	swait.ge [sflag:s22], $0x3400  }
0x55: {  	[sflag:s22] =	ssyncset.done $0x0  }
0x56: {  	[sflag:s22] =	ssyncadd.s32 $0xFFFFCC00  }
0x57: {  	[tilespmem:s17], [sflag:$0x2] =	stream.indirect.gather [hbm4b:s4+s14], $0x80, s26, s14, $0xb8;
	v63 =	vld [tilespmem:$0x0]  }
0x58: {  	_ =	swait.ge [sflag:s18], $0x3400  }
0x59: {  	[sflag:s18] =	ssyncset.done $0x0  }
0x5a: {  	[sflag:s18] =	ssyncadd.s32 $0xFFFFCC00  }
0x5b: {  	[spmem:s2] =	stream.indirect.scatter.add.f32 [tilespmem:s17], [sflag:$0x4], $0x80, s24, s14, $0xb8;
	v63 =	vld [tilespmem:$0x0]  }
0x5c: {  	_ =	swait.ge [sflag:s20], $0x3400  }
0x5d: {  	[sflag:s20] =	ssyncset.done $0x0  }
0x5e: {  	[sflag:s20] =	ssyncadd.s32 $0xFFFFCC00  }
0x5f: {  	_ =	swait.ge [sflag:s22], $0x3400  }
0x60: {  	s25 =	sadd.s32 $0x1, s25;
	[sflag:s22] =	ssyncset.done $0x0  }
0x61: {  	p0 =	sne.s32 s25, s10;
	[sflag:s22] =	ssyncadd.s32 $0xFFFFCC00  }
.Ltmp1:
0x62: {  	[bflag:$0x0] =	sbarrier.arrive $0xFFFF;
	(pc) =	sbr.rel @p0 .LBB2_1-.Ltmp1, $4  }
0x63: {  	[hbm:s9], [sflag:s6] =	dma.local [spmem:s11], $0x2780  }
0x64: {  	_ =	swait.ge [sflag:s12], $0x2780  }
0x65: {  	[sflag:s12] =	ssyncset.done $0x0  }
0x66: {  	[sflag:s12] =	ssyncadd.s32 $0xFFFFD880  }
0x67: {  	_ =	sfence.sel $0x180000  }
0x68: {  	[bflag:$0x0] =	sbarrier.arrive $0xFFFF  }
0x69: {  	p0 =	sne.s32 s0, $0x0;
	_ =	strace $0x90000047  }
0x6a: {  	s0 =	sadd.s32 @!p0 $0x100000, s1;
	[bflag:$0x2] =	sbarrier.arrive $0xFFFF  }
0x6b: {  	[sflag:s0] =	ssyncadd.tile.s32 @!p0 $0x1;
	_ =	shalt  }
.Lfunc_end2:
_tile_overlayer_lowered:
.L_overlay_start_2:
0x6c: {  	(tag) =	ssettag $0x2  }
0x6d: {  	s0 =	rddreg [dreg:$0x0];
	s2 =	stileid.u32  }
0x6e: {  	s1 =	rddreg [dreg:$0x1];
	p0 =	sne.s32 s2, $0x0  }
0x6f: {  	s3 =	rddreg [dreg:$0x2];
	[bflag:$0x3] =	sbarrier.arrive $0xFFFF;
	s2 =	simm.s32 @!p0 $0x1C05  }
0x70: {  	[timem:s3], [sflag:s2] =	dma.local @!p0 [hbm:s0], s1  }
0x71: {  	s0 =	simm.s32 @!p0 $0x5  }
0x72: {  	_ =	swait.ge @!p0 [sflag:s0], s1  }
0x73: {  	s1 =	ssub.s32 @!p0 $0x0, s1;
	[sflag:s0] =	ssyncset.done @!p0 $0x0  }
0x74: {  	[sflag:s0] =	ssyncadd.s32 @!p0 s1  }
0x75: {  	[bflag:$0x3] =	sbarrier.arrive $0xFFFF  }
0x76: {  	_ =	shalt  }

</sc_bundles>
